<compile_context>
chip_gen: v7x
topology: tpu7x:2x2x1
jax: 0.10.2.dev20260603
libtpu: 0.0.44.dev20260713+nightly
codegen_flags: <defaults>
</compile_context>

<pallas_src>
import jax
import jax.numpy as jnp
from jax import lax
from jax.experimental import pallas as pl
from jax.experimental.pallas import tpu as pltpu
from jax.experimental.pallas import tpu_sc as plsc

NUM_CORES = 2
NUM_SUBCORES = 16
NUM_WORKERS = NUM_CORES * NUM_SUBCORES
NB = 4
LANES = 16


def kernel(x, table):
    batch, hist = x.shape
    vocab, d = table.shape
    idx = jnp.pad(x.astype(jnp.int32), ((0, 0), (0, 128 - hist)))
    table_p = jnp.pad(table, ((0, 0), (0, d)))

    rows_per_worker = batch // NUM_WORKERS
    n_chunks = rows_per_worker // NB
    chunk = NB * hist
    assert batch % NUM_WORKERS == 0 and rows_per_worker % NB == 0
    assert n_chunks % 2 == 0

    mesh = plsc.VectorSubcoreMesh(core_axis_name="c", subcore_axis_name="s")

    @pl.kernel(
        out_type=jax.ShapeDtypeStruct((batch, hist * d), table.dtype),
        mesh=mesh,
        scratch_types=[
            pltpu.VMEM((NB, 128), jnp.int32),
            pltpu.VMEM((NB, 128), jnp.int32),
            pltpu.VMEM((chunk, 2 * d), jnp.float32),
            pltpu.VMEM((chunk, 2 * d), jnp.float32),
            pltpu.VMEM((NB, hist * d), jnp.float32),
            pltpu.VMEM((NB, hist * d), jnp.float32),
            pltpu.SemaphoreType.DMA,
            pltpu.SemaphoreType.DMA,
            pltpu.SemaphoreType.DMA,
            pltpu.SemaphoreType.DMA,
        ],
    )
    def gather_kernel(table_hbm, idx_hbm, out_hbm,
                      idx0, idx1, rows0, rows1, cmp0, cmp1,
                      sg0, sg1, sw0, sw1):
        wid = lax.axis_index("s") * NUM_CORES + lax.axis_index("c")
        row_base = wid * rows_per_worker
        idx_v = (idx0, idx1)
        rows_v = (rows0, rows1)
        cmp_v = (cmp0, cmp1)
        sg = (sg0, sg1)
        sw = (sw0, sw1)

        def fire_gathers(c, b):
            b0 = row_base + c * NB
            pltpu.sync_copy(idx_hbm.at[pl.ds(b0, NB)], idx_v[b])
            for j in range(NB):
                pltpu.async_copy(
                    table_hbm.at[idx_v[b].at[j, pl.ds(0, hist)]],
                    rows_v[b].at[pl.ds(j * hist, hist)],
                    sg[b],
                )

        def wait_gathers(b):
            for j in range(NB):
                pltpu.make_async_copy(
                    table_hbm.at[idx_v[b].at[j, pl.ds(0, hist)]],
                    rows_v[b].at[pl.ds(j * hist, hist)],
                    sg[b],
                ).wait()

        def wait_writes(b):
            pltpu.make_async_copy(
                cmp_v[b],
                out_hbm.at[pl.ds(row_base, NB)],
                sw[b],
            ).wait()

        def step(c, b):
            wait_gathers(b)

            @pl.when(c + 1 < n_chunks)
            def _():
                fire_gathers(c + 1, 1 - b)

            @pl.when(c >= 2)
            def _():
                wait_writes(b)

            for j in range(NB):
                @pl.loop(0, hist)
                def _(h):
                    for k in range(d // LANES):
                        cmp_v[b][pl.ds(j, 1), pl.ds(h * d + k * LANES, LANES)] = (
                            rows_v[b][pl.ds(j * hist + h, 1), pl.ds(k * LANES, LANES)]
                        )

            b0 = row_base + c * NB
            pltpu.async_copy(
                cmp_v[b],
                out_hbm.at[pl.ds(b0, NB)],
                sw[b],
            )

        fire_gathers(0, 0)

        @pl.loop(0, n_chunks, step=2)
        def _(c):
            step(c, 0)
            step(c + 1, 1)

        wait_writes(0)
        wait_writes(1)

    out = gather_kernel(table_p, idx)
    return out.reshape(batch, hist, d)

# --- scband reference (transcript-rebuilt; emitter-appended) ---
"""Pipeline reference for scband-embedding-35966056136980 (READ-ONLY COPY).

The authoritative reference and input builder live on the scoring server;
editing this copy changes nothing except your own understanding.
"""

import jax, jax.numpy as jnp
import numpy as np

VOCAB = 1000000
D_MODEL = 64
BATCH = 16384
HIST = 50

def setup_inputs(seed: int = 0) -> dict:
    key = jax.random.key(seed)
    k_idx, k_tab = jax.random.split(key)
    x = jax.random.randint(k_idx, (BATCH, HIST), 0, VOCAB, dtype=jnp.int64 if jax.config.jax_enable_x64 else jnp.int32)
    table = jax.random.normal(k_tab, (VOCAB, D_MODEL), dtype=jnp.float32)
    return {"x": x, "table": table}

def reference(x, table):
    # nn.Embedding forward: row gather from the embedding table
    return jnp.take(table, x, axis=0)

if __name__ == "__main__":
    import jax
    _d = setup_inputs()
    print(jax.jit(kernel)(*tuple(_d.values())))

</pallas_src>

<mosaic_0001>
#map = affine_map<(d0, d1) -> (0, 0)>
module attributes {stable_mosaic.version = 14 : i64} {
  func.func @gather_kernel(%arg0: i32, %arg1: i32, %arg2: memref<1000000x128xf32, #tpu.memory_space<hbm>>, %arg3: memref<16384x128xi32, #tpu.memory_space<hbm>>, %arg4: memref<16384x3200xf32, #tpu.memory_space<hbm>>, %arg5: memref<4x128xi32, #tpu.memory_space<vmem>>, %arg6: memref<4x128xi32, #tpu.memory_space<vmem>>, %arg7: memref<200x128xf32, #tpu.memory_space<vmem>>, %arg8: memref<200x128xf32, #tpu.memory_space<vmem>>, %arg9: memref<4x3200xf32, #tpu.memory_space<vmem>>, %arg10: memref<4x3200xf32, #tpu.memory_space<vmem>>, %arg11: memref<!tpu.dma_semaphore, #tpu.memory_space<semaphore_mem>>, %arg12: memref<!tpu.dma_semaphore, #tpu.memory_space<semaphore_mem>>, %arg13: memref<!tpu.dma_semaphore, #tpu.memory_space<semaphore_mem>>, %arg14: memref<!tpu.dma_semaphore, #tpu.memory_space<semaphore_mem>>) attributes {dimension_semantics = [#tpu.dimension_semantics<core_parallel>, #tpu.dimension_semantics<subcore_parallel>], iteration_bounds = array<i64: 2, 16>, scalar_prefetch = 0 : i64, scratch_operands = 10 : i64, tpu.core_type = #tpu.core_type<sc_vector_subcore>, window_params = [{transform_indices = #map}, {transform_indices = #map}, {transform_indices = #map}]} {
    %mul3A = arith.constant 2 : i32
    %mul3A_0 = arith.muli %arg1, %mul3A : i32
    %add3A = arith.addi %mul3A_0, %arg0 : i32
    %mul3A_1 = arith.constant 512 : i32
    %mul3A_2 = arith.muli %add3A, %mul3A_1 : i32
    %add3A_3 = arith.constant 0 : i32
    %add3A_4 = arith.addi %mul3A_2, %add3A_3 : i32
    "tpu.region"() ({
      %run_scoped3A = tpu.sem_alloc : memref<!tpu.dma_semaphore, #tpu.memory_space<semaphore_mem>>
      %dma_start3A_55 = arith.constant 0 : i32
      %dma_start3A_56 = tpu.memref_slice %arg3[%add3A_4, %dma_start3A_55] : memref<16384x128xi32, #tpu.memory_space<hbm>> -> memref<4x128xi32, #tpu.memory_space<hbm>>
      %dma_start3A_57 = arith.constant 0 : i32
      %dma_start3A_58 = tpu.memref_slice %arg3[%add3A_4, %dma_start3A_57] : memref<16384x128xi32, #tpu.memory_space<hbm>> -> memref<4x128xi32, #tpu.memory_space<hbm>>
      tpu.enqueue_dma source(%dma_start3A_58 : memref<4x128xi32, #tpu.memory_space<hbm>>) target(%arg5 : memref<4x128xi32, #tpu.memory_space<vmem>>) target_semaphore(%run_scoped3A : memref<!tpu.dma_semaphore, #tpu.memory_space<semaphore_mem>>)
      %dma_wait3A_59 = arith.constant 0 : i32
      %dma_wait3A_60 = tpu.memref_slice %arg3[%add3A_4, %dma_wait3A_59] : memref<16384x128xi32, #tpu.memory_space<hbm>> -> memref<4x128xi32, #tpu.memory_space<hbm>>
      %dma_wait3A_61 = arith.constant 0 : i32
      %dma_wait3A_62 = tpu.memref_slice %arg3[%add3A_4, %dma_wait3A_61] : memref<16384x128xi32, #tpu.memory_space<hbm>> -> memref<4x128xi32, #tpu.memory_space<hbm>>
      tpu.wait_dma2 semaphore(%run_scoped3A : memref<!tpu.dma_semaphore, #tpu.memory_space<semaphore_mem>>) src(%dma_wait3A_62 : memref<4x128xi32, #tpu.memory_space<hbm>>) dst(%arg5 : memref<4x128xi32, #tpu.memory_space<vmem>>)
      tpu.yield
    }) : () -> ()
    %dma_start3A = arith.constant 0 : i32
    %dma_start3A_5 = arith.constant 0 : i32
    %dma_start3A_6 = arith.constant 0 : i32
    %dma_start3A_7 = tpu.memref_slice %arg7[%dma_start3A_5, %dma_start3A_6] : memref<200x128xf32, #tpu.memory_space<vmem>> -> memref<50x128xf32, #tpu.memory_space<vmem>>
    %dma_start3A_8 = arith.constant 0 : i32
    %dma_start3A_9 = tpu.memref_slice %arg5[%dma_start3A, %dma_start3A_8] : memref<4x128xi32, #tpu.memory_space<vmem>> -> memref<1x50xi32, #tpu.memory_space<vmem>>
    %dma_start3A_10 = tpu.memref_squeeze %dma_start3A_9 : memref<1x50xi32, #tpu.memory_space<vmem>> -> memref<50xi32, #tpu.memory_space<vmem>>
    %dma_start3A_11 = arith.constant 0 : i32
    %dma_start3A_12 = arith.constant 0 : i32
    %dma_start3A_13 = tpu.memref_slice %arg2[%dma_start3A_11, %dma_start3A_12] : memref<1000000x128xf32, #tpu.memory_space<hbm>> -> memref<1000000x128xf32, #tpu.memory_space<hbm>>
    tpu.enqueue_indirect_dma source(%dma_start3A_13 : memref<1000000x128xf32, #tpu.memory_space<hbm>>) target(%dma_start3A_7 : memref<50x128xf32, #tpu.memory_space<vmem>>) offsets(%dma_start3A_10 : memref<50xi32, #tpu.memory_space<vmem>>) semaphore(%arg11 : memref<!tpu.dma_semaphore, #tpu.memory_space<semaphore_mem>>)
    %dma_start3A_14 = arith.constant 1 : i32
    %dma_start3A_15 = arith.constant 50 : i32
    %dma_start3A_16 = arith.constant 0 : i32
    %dma_start3A_17 = tpu.memref_slice %arg7[%dma_start3A_15, %dma_start3A_16] : memref<200x128xf32, #tpu.memory_space<vmem>> -> memref<50x128xf32, #tpu.memory_space<vmem>>
    %dma_start3A_18 = arith.constant 0 : i32
    %dma_start3A_19 = tpu.memref_slice %arg5[%dma_start3A_14, %dma_start3A_18] : memref<4x128xi32, #tpu.memory_space<vmem>> -> memref<1x50xi32, #tpu.memory_space<vmem>>
    %dma_start3A_20 = tpu.memref_squeeze %dma_start3A_19 : memref<1x50xi32, #tpu.memory_space<vmem>> -> memref<50xi32, #tpu.memory_space<vmem>>
    %dma_start3A_21 = arith.constant 0 : i32
    %dma_start3A_22 = arith.constant 0 : i32
    %dma_start3A_23 = tpu.memref_slice %arg2[%dma_start3A_21, %dma_start3A_22] : memref<1000000x128xf32, #tpu.memory_space<hbm>> -> memref<1000000x128xf32, #tpu.memory_space<hbm>>
    tpu.enqueue_indirect_dma source(%dma_start3A_23 : memref<1000000x128xf32, #tpu.memory_space<hbm>>) target(%dma_start3A_17 : memref<50x128xf32, #tpu.memory_space<vmem>>) offsets(%dma_start3A_20 : memref<50xi32, #tpu.memory_space<vmem>>) semaphore(%arg11 : memref<!tpu.dma_semaphore, #tpu.memory_space<semaphore_mem>>)
    %dma_start3A_24 = arith.constant 2 : i32
    %dma_start3A_25 = arith.constant 100 : i32
    %dma_start3A_26 = arith.constant 0 : i32
    %dma_start3A_27 = tpu.memref_slice %arg7[%dma_start3A_25, %dma_start3A_26] : memref<200x128xf32, #tpu.memory_space<vmem>> -> memref<50x128xf32, #tpu.memory_space<vmem>>
    %dma_start3A_28 = arith.constant 0 : i32
    %dma_start3A_29 = tpu.memref_slice %arg5[%dma_start3A_24, %dma_start3A_28] : memref<4x128xi32, #tpu.memory_space<vmem>> -> memref<1x50xi32, #tpu.memory_space<vmem>>
    %dma_start3A_30 = tpu.memref_squeeze %dma_start3A_29 : memref<1x50xi32, #tpu.memory_space<vmem>> -> memref<50xi32, #tpu.memory_space<vmem>>
    %dma_start3A_31 = arith.constant 0 : i32
    %dma_start3A_32 = arith.constant 0 : i32
    %dma_start3A_33 = tpu.memref_slice %arg2[%dma_start3A_31, %dma_start3A_32] : memref<1000000x128xf32, #tpu.memory_space<hbm>> -> memref<1000000x128xf32, #tpu.memory_space<hbm>>
    tpu.enqueue_indirect_dma source(%dma_start3A_33 : memref<1000000x128xf32, #tpu.memory_space<hbm>>) target(%dma_start3A_27 : memref<50x128xf32, #tpu.memory_space<vmem>>) offsets(%dma_start3A_30 : memref<50xi32, #tpu.memory_space<vmem>>) semaphore(%arg11 : memref<!tpu.dma_semaphore, #tpu.memory_space<semaphore_mem>>)
    %dma_start3A_34 = arith.constant 3 : i32
    %dma_start3A_35 = arith.constant 150 : i32
    %dma_start3A_36 = arith.constant 0 : i32
    %dma_start3A_37 = tpu.memref_slice %arg7[%dma_start3A_35, %dma_start3A_36] : memref<200x128xf32, #tpu.memory_space<vmem>> -> memref<50x128xf32, #tpu.memory_space<vmem>>
    %dma_start3A_38 = arith.constant 0 : i32
    %dma_start3A_39 = tpu.memref_slice %arg5[%dma_start3A_34, %dma_start3A_38] : memref<4x128xi32, #tpu.memory_space<vmem>> -> memref<1x50xi32, #tpu.memory_space<vmem>>
    %dma_start3A_40 = tpu.memref_squeeze %dma_start3A_39 : memref<1x50xi32, #tpu.memory_space<vmem>> -> memref<50xi32, #tpu.memory_space<vmem>>
    %dma_start3A_41 = arith.constant 0 : i32
    %dma_start3A_42 = arith.constant 0 : i32
    %dma_start3A_43 = tpu.memref_slice %arg2[%dma_start3A_41, %dma_start3A_42] : memref<1000000x128xf32, #tpu.memory_space<hbm>> -> memref<1000000x128xf32, #tpu.memory_space<hbm>>
    tpu.enqueue_indirect_dma source(%dma_start3A_43 : memref<1000000x128xf32, #tpu.memory_space<hbm>>) target(%dma_start3A_37 : memref<50x128xf32, #tpu.memory_space<vmem>>) offsets(%dma_start3A_40 : memref<50xi32, #tpu.memory_space<vmem>>) semaphore(%arg11 : memref<!tpu.dma_semaphore, #tpu.memory_space<semaphore_mem>>)
    %scan3A = arith.constant 0 : i32
    %scan3A_44 = arith.constant 64 : i32
    %scan3A_45 = arith.addi %scan3A, %scan3A_44 : i32
    %scan3A_46 = arith.constant 1 : i32
    scf.for %scan3A_55 = %scan3A to %scan3A_45 step %scan3A_46  : i32 {
      %mul3A_56 = arith.constant 2 : i32
      %mul3A_57 = arith.muli %scan3A_55, %mul3A_56 : i32
      %add3A_58 = arith.constant 0 : i32
      %add3A_59 = arith.addi %add3A_58, %mul3A_57 : i32
      %dma_wait3A_60 = arith.constant 0 : i32
      %dma_wait3A_61 = arith.constant 0 : i32
      %dma_wait3A_62 = arith.constant 0 : i32
      %dma_wait3A_63 = tpu.memref_slice %arg7[%dma_wait3A_61, %dma_wait3A_62] : memref<200x128xf32, #tpu.memory_space<vmem>> -> memref<50x128xf32, #tpu.memory_space<vmem>>
      %dma_wait3A_64 = arith.constant 0 : i32
      %dma_wait3A_65 = tpu.memref_slice %arg5[%dma_wait3A_60, %dma_wait3A_64] : memref<4x128xi32, #tpu.memory_space<vmem>> -> memref<1x50xi32, #tpu.memory_space<vmem>>
      %dma_wait3A_66 = tpu.memref_squeeze %dma_wait3A_65 : memref<1x50xi32, #tpu.memory_space<vmem>> -> memref<50xi32, #tpu.memory_space<vmem>>
      %dma_wait3A_67 = arith.constant 0 : i32
      %dma_wait3A_68 = arith.constant 0 : i32
      %dma_wait3A_69 = tpu.memref_slice %arg2[%dma_wait3A_67, %dma_wait3A_68] : memref<1000000x128xf32, #tpu.memory_space<hbm>> -> memref<1000000x128xf32, #tpu.memory_space<hbm>>
      tpu.wait_indirect_dma semaphore(%arg11 : memref<!tpu.dma_semaphore, #tpu.memory_space<semaphore_mem>>) src(%dma_wait3A_69 : memref<1000000x128xf32, #tpu.memory_space<hbm>>) dst(%dma_wait3A_63 : memref<50x128xf32, #tpu.memory_space<vmem>>)
      %dma_wait3A_70 = arith.constant 1 : i32
      %dma_wait3A_71 = arith.constant 50 : i32
      %dma_wait3A_72 = arith.constant 0 : i32
      %dma_wait3A_73 = tpu.memref_slice %arg7[%dma_wait3A_71, %dma_wait3A_72] : memref<200x128xf32, #tpu.memory_space<vmem>> -> memref<50x128xf32, #tpu.memory_space<vmem>>
      %dma_wait3A_74 = arith.constant 0 : i32
      %dma_wait3A_75 = tpu.memref_slice %arg5[%dma_wait3A_70, %dma_wait3A_74] : memref<4x128xi32, #tpu.memory_space<vmem>> -> memref<1x50xi32, #tpu.memory_space<vmem>>
      %dma_wait3A_76 = tpu.memref_squeeze %dma_wait3A_75 : memref<1x50xi32, #tpu.memory_space<vmem>> -> memref<50xi32, #tpu.memory_space<vmem>>
      %dma_wait3A_77 = arith.constant 0 : i32
      %dma_wait3A_78 = arith.constant 0 : i32
      %dma_wait3A_79 = tpu.memref_slice %arg2[%dma_wait3A_77, %dma_wait3A_78] : memref<1000000x128xf32, #tpu.memory_space<hbm>> -> memref<1000000x128xf32, #tpu.memory_space<hbm>>
      tpu.wait_indirect_dma semaphore(%arg11 : memref<!tpu.dma_semaphore, #tpu.memory_space<semaphore_mem>>) src(%dma_wait3A_79 : memref<1000000x128xf32, #tpu.memory_space<hbm>>) dst(%dma_wait3A_73 : memref<50x128xf32, #tpu.memory_space<vmem>>)
      %dma_wait3A_80 = arith.constant 2 : i32
      %dma_wait3A_81 = arith.constant 100 : i32
      %dma_wait3A_82 = arith.constant 0 : i32
      %dma_wait3A_83 = tpu.memref_slice %arg7[%dma_wait3A_81, %dma_wait3A_82] : memref<200x128xf32, #tpu.memory_space<vmem>> -> memref<50x128xf32, #tpu.memory_space<vmem>>
      %dma_wait3A_84 = arith.constant 0 : i32
      %dma_wait3A_85 = tpu.memref_slice %arg5[%dma_wait3A_80, %dma_wait3A_84] : memref<4x128xi32, #tpu.memory_space<vmem>> -> memref<1x50xi32, #tpu.memory_space<vmem>>
      %dma_wait3A_86 = tpu.memref_squeeze %dma_wait3A_85 : memref<1x50xi32, #tpu.memory_space<vmem>> -> memref<50xi32, #tpu.memory_space<vmem>>
      %dma_wait3A_87 = arith.constant 0 : i32
      %dma_wait3A_88 = arith.constant 0 : i32
      %dma_wait3A_89 = tpu.memref_slice %arg2[%dma_wait3A_87, %dma_wait3A_88] : memref<1000000x128xf32, #tpu.memory_space<hbm>> -> memref<1000000x128xf32, #tpu.memory_space<hbm>>
      tpu.wait_indirect_dma semaphore(%arg11 : memref<!tpu.dma_semaphore, #tpu.memory_space<semaphore_mem>>) src(%dma_wait3A_89 : memref<1000000x128xf32, #tpu.memory_space<hbm>>) dst(%dma_wait3A_83 : memref<50x128xf32, #tpu.memory_space<vmem>>)
      %dma_wait3A_90 = arith.constant 3 : i32
      %dma_wait3A_91 = arith.constant 150 : i32
      %dma_wait3A_92 = arith.constant 0 : i32
      %dma_wait3A_93 = tpu.memref_slice %arg7[%dma_wait3A_91, %dma_wait3A_92] : memref<200x128xf32, #tpu.memory_space<vmem>> -> memref<50x128xf32, #tpu.memory_space<vmem>>
      %dma_wait3A_94 = arith.constant 0 : i32
      %dma_wait3A_95 = tpu.memref_slice %arg5[%dma_wait3A_90, %dma_wait3A_94] : memref<4x128xi32, #tpu.memory_space<vmem>> -> memref<1x50xi32, #tpu.memory_space<vmem>>
      %dma_wait3A_96 = tpu.memref_squeeze %dma_wait3A_95 : memref<1x50xi32, #tpu.memory_space<vmem>> -> memref<50xi32, #tpu.memory_space<vmem>>
      %dma_wait3A_97 = arith.constant 0 : i32
      %dma_wait3A_98 = arith.constant 0 : i32
      %dma_wait3A_99 = tpu.memref_slice %arg2[%dma_wait3A_97, %dma_wait3A_98] : memref<1000000x128xf32, #tpu.memory_space<hbm>> -> memref<1000000x128xf32, #tpu.memory_space<hbm>>
      tpu.wait_indirect_dma semaphore(%arg11 : memref<!tpu.dma_semaphore, #tpu.memory_space<semaphore_mem>>) src(%dma_wait3A_99 : memref<1000000x128xf32, #tpu.memory_space<hbm>>) dst(%dma_wait3A_93 : memref<50x128xf32, #tpu.memory_space<vmem>>)
      %add3A_100 = arith.constant 1 : i32
      %add3A_101 = arith.addi %add3A_59, %add3A_100 : i32
      %lt3A = arith.constant 128 : i32
      %lt3A_102 = arith.cmpi slt, %add3A_101, %lt3A : i32
      %convert_element_type3A = arith.extui %lt3A_102 : i1 to i32
      %cond3A = arith.constant 0 : i32
      %cond3A_103 = arith.cmpi ne, %convert_element_type3A, %cond3A : i32
      scf.if %cond3A_103 {
        %add3A_216 = arith.constant 1 : i32
        %add3A_217 = arith.addi %add3A_59, %add3A_216 : i32
        %mul3A_218 = arith.constant 4 : i32
        %mul3A_219 = arith.muli %add3A_217, %mul3A_218 : i32
        %add3A_220 = arith.addi %mul3A_2, %mul3A_219 : i32
        "tpu.region"() ({
          %run_scoped3A = tpu.sem_alloc : memref<!tpu.dma_semaphore, #tpu.memory_space<semaphore_mem>>
          %dma_start3A_261 = arith.constant 0 : i32
          %dma_start3A_262 = tpu.memref_slice %arg3[%add3A_220, %dma_start3A_261] : memref<16384x128xi32, #tpu.memory_space<hbm>> -> memref<4x128xi32, #tpu.memory_space<hbm>>
          %dma_start3A_263 = arith.constant 0 : i32
          %dma_start3A_264 = tpu.memref_slice %arg3[%add3A_220, %dma_start3A_263] : memref<16384x128xi32, #tpu.memory_space<hbm>> -> memref<4x128xi32, #tpu.memory_space<hbm>>
          tpu.enqueue_dma source(%dma_start3A_264 : memref<4x128xi32, #tpu.memory_space<hbm>>) target(%arg6 : memref<4x128xi32, #tpu.memory_space<vmem>>) target_semaphore(%run_scoped3A : memref<!tpu.dma_semaphore, #tpu.memory_space<semaphore_mem>>)
          %dma_wait3A_265 = arith.constant 0 : i32
          %dma_wait3A_266 = tpu.memref_slice %arg3[%add3A_220, %dma_wait3A_265] : memref<16384x128xi32, #tpu.memory_space<hbm>> -> memref<4x128xi32, #tpu.memory_space<hbm>>
          %dma_wait3A_267 = arith.constant 0 : i32
          %dma_wait3A_268 = tpu.memref_slice %arg3[%add3A_220, %dma_wait3A_267] : memref<16384x128xi32, #tpu.memory_space<hbm>> -> memref<4x128xi32, #tpu.memory_space<hbm>>
          tpu.wait_dma2 semaphore(%run_scoped3A : memref<!tpu.dma_semaphore, #tpu.memory_space<semaphore_mem>>) src(%dma_wait3A_268 : memref<4x128xi32, #tpu.memory_space<hbm>>) dst(%arg6 : memref<4x128xi32, #tpu.memory_space<vmem>>)
          tpu.yield
        }) : () -> ()
        %dma_start3A_221 = arith.constant 0 : i32
        %dma_start3A_222 = arith.constant 0 : i32
        %dma_start3A_223 = arith.constant 0 : i32
        %dma_start3A_224 = tpu.memref_slice %arg8[%dma_start3A_222, %dma_start3A_223] : memref<200x128xf32, #tpu.memory_space<vmem>> -> memref<50x128xf32, #tpu.memory_space<vmem>>
        %dma_start3A_225 = arith.constant 0 : i32
        %dma_start3A_226 = tpu.memref_slice %arg6[%dma_start3A_221, %dma_start3A_225] : memref<4x128xi32, #tpu.memory_space<vmem>> -> memref<1x50xi32, #tpu.memory_space<vmem>>
        %dma_start3A_227 = tpu.memref_squeeze %dma_start3A_226 : memref<1x50xi32, #tpu.memory_space<vmem>> -> memref<50xi32, #tpu.memory_space<vmem>>
        %dma_start3A_228 = arith.constant 0 : i32
        %dma_start3A_229 = arith.constant 0 : i32
        %dma_start3A_230 = tpu.memref_slice %arg2[%dma_start3A_228, %dma_start3A_229] : memref<1000000x128xf32, #tpu.memory_space<hbm>> -> memref<1000000x128xf32, #tpu.memory_space<hbm>>
        tpu.enqueue_indirect_dma source(%dma_start3A_230 : memref<1000000x128xf32, #tpu.memory_space<hbm>>) target(%dma_start3A_224 : memref<50x128xf32, #tpu.memory_space<vmem>>) offsets(%dma_start3A_227 : memref<50xi32, #tpu.memory_space<vmem>>) semaphore(%arg12 : memref<!tpu.dma_semaphore, #tpu.memory_space<semaphore_mem>>)
        %dma_start3A_231 = arith.constant 1 : i32
        %dma_start3A_232 = arith.constant 50 : i32
        %dma_start3A_233 = arith.constant 0 : i32
        %dma_start3A_234 = tpu.memref_slice %arg8[%dma_start3A_232, %dma_start3A_233] : memref<200x128xf32, #tpu.memory_space<vmem>> -> memref<50x128xf32, #tpu.memory_space<vmem>>
        %dma_start3A_235 = arith.constant 0 : i32
        %dma_start3A_236 = tpu.memref_slice %arg6[%dma_start3A_231, %dma_start3A_235] : memref<4x128xi32, #tpu.memory_space<vmem>> -> memref<1x50xi32, #tpu.memory_space<vmem>>
        %dma_start3A_237 = tpu.memref_squeeze %dma_start3A_236 : memref<1x50xi32, #tpu.memory_space<vmem>> -> memref<50xi32, #tpu.memory_space<vmem>>
        %dma_start3A_238 = arith.constant 0 : i32
        %dma_start3A_239 = arith.constant 0 : i32
        %dma_start3A_240 = tpu.memref_slice %arg2[%dma_start3A_238, %dma_start3A_239] : memref<1000000x128xf32, #tpu.memory_space<hbm>> -> memref<1000000x128xf32, #tpu.memory_space<hbm>>
        tpu.enqueue_indirect_dma source(%dma_start3A_240 : memref<1000000x128xf32, #tpu.memory_space<hbm>>) target(%dma_start3A_234 : memref<50x128xf32, #tpu.memory_space<vmem>>) offsets(%dma_start3A_237 : memref<50xi32, #tpu.memory_space<vmem>>) semaphore(%arg12 : memref<!tpu.dma_semaphore, #tpu.memory_space<semaphore_mem>>)
        %dma_start3A_241 = arith.constant 2 : i32
        %dma_start3A_242 = arith.constant 100 : i32
        %dma_start3A_243 = arith.constant 0 : i32
        %dma_start3A_244 = tpu.memref_slice %arg8[%dma_start3A_242, %dma_start3A_243] : memref<200x128xf32, #tpu.memory_space<vmem>> -> memref<50x128xf32, #tpu.memory_space<vmem>>
        %dma_start3A_245 = arith.constant 0 : i32
        %dma_start3A_246 = tpu.memref_slice %arg6[%dma_start3A_241, %dma_start3A_245] : memref<4x128xi32, #tpu.memory_space<vmem>> -> memref<1x50xi32, #tpu.memory_space<vmem>>
        %dma_start3A_247 = tpu.memref_squeeze %dma_start3A_246 : memref<1x50xi32, #tpu.memory_space<vmem>> -> memref<50xi32, #tpu.memory_space<vmem>>
        %dma_start3A_248 = arith.constant 0 : i32
        %dma_start3A_249 = arith.constant 0 : i32
        %dma_start3A_250 = tpu.memref_slice %arg2[%dma_start3A_248, %dma_start3A_249] : memref<1000000x128xf32, #tpu.memory_space<hbm>> -> memref<1000000x128xf32, #tpu.memory_space<hbm>>
        tpu.enqueue_indirect_dma source(%dma_start3A_250 : memref<1000000x128xf32, #tpu.memory_space<hbm>>) target(%dma_start3A_244 : memref<50x128xf32, #tpu.memory_space<vmem>>) offsets(%dma_start3A_247 : memref<50xi32, #tpu.memory_space<vmem>>) semaphore(%arg12 : memref<!tpu.dma_semaphore, #tpu.memory_space<semaphore_mem>>)
        %dma_start3A_251 = arith.constant 3 : i32
        %dma_start3A_252 = arith.constant 150 : i32
        %dma_start3A_253 = arith.constant 0 : i32
        %dma_start3A_254 = tpu.memref_slice %arg8[%dma_start3A_252, %dma_start3A_253] : memref<200x128xf32, #tpu.memory_space<vmem>> -> memref<50x128xf32, #tpu.memory_space<vmem>>
        %dma_start3A_255 = arith.constant 0 : i32
        %dma_start3A_256 = tpu.memref_slice %arg6[%dma_start3A_251, %dma_start3A_255] : memref<4x128xi32, #tpu.memory_space<vmem>> -> memref<1x50xi32, #tpu.memory_space<vmem>>
        %dma_start3A_257 = tpu.memref_squeeze %dma_start3A_256 : memref<1x50xi32, #tpu.memory_space<vmem>> -> memref<50xi32, #tpu.memory_space<vmem>>
        %dma_start3A_258 = arith.constant 0 : i32
        %dma_start3A_259 = arith.constant 0 : i32
        %dma_start3A_260 = tpu.memref_slice %arg2[%dma_start3A_258, %dma_start3A_259] : memref<1000000x128xf32, #tpu.memory_space<hbm>> -> memref<1000000x128xf32, #tpu.memory_space<hbm>>
        tpu.enqueue_indirect_dma source(%dma_start3A_260 : memref<1000000x128xf32, #tpu.memory_space<hbm>>) target(%dma_start3A_254 : memref<50x128xf32, #tpu.memory_space<vmem>>) offsets(%dma_start3A_257 : memref<50xi32, #tpu.memory_space<vmem>>) semaphore(%arg12 : memref<!tpu.dma_semaphore, #tpu.memory_space<semaphore_mem>>)
      } else {
      }
      %ge3A = arith.constant 2 : i32
      %ge3A_104 = arith.cmpi sge, %add3A_59, %ge3A : i32
      %convert_element_type3A_105 = arith.extui %ge3A_104 : i1 to i32
      %cond3A_106 = arith.constant 0 : i32
      %cond3A_107 = arith.cmpi ne, %convert_element_type3A_105, %cond3A_106 : i32
      scf.if %cond3A_107 {
        %dma_wait3A_216 = arith.constant 0 : i32
        %dma_wait3A_217 = tpu.memref_slice %arg4[%mul3A_2, %dma_wait3A_216] : memref<16384x3200xf32, #tpu.memory_space<hbm>> -> memref<4x3200xf32, #tpu.memory_space<hbm>>
        %dma_wait3A_218 = arith.constant 0 : i32
        %dma_wait3A_219 = tpu.memref_slice %arg4[%mul3A_2, %dma_wait3A_218] : memref<16384x3200xf32, #tpu.memory_space<hbm>> -> memref<4x3200xf32, #tpu.memory_space<hbm>>
        tpu.wait_dma2 semaphore(%arg13 : memref<!tpu.dma_semaphore, #tpu.memory_space<semaphore_mem>>) src(%arg9 : memref<4x3200xf32, #tpu.memory_space<vmem>>) dst(%dma_wait3A_219 : memref<4x3200xf32, #tpu.memory_space<hbm>>)
      } else {
      }
      %scan3A_108 = arith.constant 0 : i32
      %scan3A_109 = arith.constant 50 : i32
      %scan3A_110 = arith.addi %scan3A_108, %scan3A_109 : i32
      %scan3A_111 = arith.constant 1 : i32
      scf.for %scan3A_216 = %scan3A_108 to %scan3A_110 step %scan3A_111  : i32 {
        %mul3A_217 = arith.constant 1 : i32
        %mul3A_218 = arith.muli %scan3A_216, %mul3A_217 : i32
        %add3A_219 = arith.constant 0 : i32
        %add3A_220 = arith.addi %add3A_219, %mul3A_218 : i32
        %add3A_221 = arith.constant 0 : i32
        %add3A_222 = arith.addi %add3A_221, %add3A_220 : i32
        %get3A = arith.index_cast %add3A_222 : i32 to index
        %get3A_223 = arith.constant 0 : index
        %get3A_224 = tpu.vector_load %arg7[%get3A, %get3A_223] {strides = array<i32>} : memref<200x128xf32, #tpu.memory_space<vmem>>, vector<1x16xf32>,
        %get3A_225 = vector.shape_cast %get3A_224 : vector<1x16xf32> to vector<1x16xf32>
        %mul3A_226 = arith.constant 64 : i32
        %mul3A_227 = arith.muli %add3A_220, %mul3A_226 : i32
        %add3A_228 = arith.constant 0 : i32
        %add3A_229 = arith.addi %mul3A_227, %add3A_228 : i32
        %swap3A = arith.constant 0 : index
        %swap3A_230 = arith.index_cast %add3A_229 : i32 to index
        %swap3A_231 = tpu.vector_load %arg9[%swap3A, %swap3A_230] {strides = array<i32>} : memref<4x3200xf32, #tpu.memory_space<vmem>>, vector<1x16xf32>,
        %swap3A_232 = vector.shape_cast %swap3A_231 : vector<1x16xf32> to vector<1x16xf32>
        %swap3A_233 = vector.shape_cast %get3A_225 : vector<1x16xf32> to vector<1x16xf32>
        tpu.vector_store %arg9[%swap3A, %swap3A_230], %swap3A_233 {strides = array<i32>} : memref<4x3200xf32, #tpu.memory_space<vmem>>, vector<1x16xf32>,
        %add3A_234 = arith.constant 0 : i32
        %add3A_235 = arith.addi %add3A_234, %add3A_220 : i32
        %get3A_236 = arith.index_cast %add3A_235 : i32 to index
        %get3A_237 = arith.constant 16 : index
        %get3A_238 = tpu.vector_load %arg7[%get3A_236, %get3A_237] {strides = array<i32>} : memref<200x128xf32, #tpu.memory_space<vmem>>, vector<1x16xf32>,
        %get3A_239 = vector.shape_cast %get3A_238 : vector<1x16xf32> to vector<1x16xf32>
        %mul3A_240 = arith.constant 64 : i32
        %mul3A_241 = arith.muli %add3A_220, %mul3A_240 : i32
        %add3A_242 = arith.constant 16 : i32
        %add3A_243 = arith.addi %mul3A_241, %add3A_242 : i32
        %swap3A_244 = arith.constant 0 : index
        %swap3A_245 = arith.index_cast %add3A_243 : i32 to index
        %swap3A_246 = tpu.vector_load %arg9[%swap3A_244, %swap3A_245] {strides = array<i32>} : memref<4x3200xf32, #tpu.memory_space<vmem>>, vector<1x16xf32>,
        %swap3A_247 = vector.shape_cast %swap3A_246 : vector<1x16xf32> to vector<1x16xf32>
        %swap3A_248 = vector.shape_cast %get3A_239 : vector<1x16xf32> to vector<1x16xf32>
        tpu.vector_store %arg9[%swap3A_244, %swap3A_245], %swap3A_248 {strides = array<i32>} : memref<4x3200xf32, #tpu.memory_space<vmem>>, vector<1x16xf32>,
        %add3A_249 = arith.constant 0 : i32
        %add3A_250 = arith.addi %add3A_249, %add3A_220 : i32
        %get3A_251 = arith.index_cast %add3A_250 : i32 to index
        %get3A_252 = arith.constant 32 : index
        %get3A_253 = tpu.vector_load %arg7[%get3A_251, %get3A_252] {strides = array<i32>} : memref<200x128xf32, #tpu.memory_space<vmem>>, vector<1x16xf32>,
        %get3A_254 = vector.shape_cast %get3A_253 : vector<1x16xf32> to vector<1x16xf32>
        %mul3A_255 = arith.constant 64 : i32
        %mul3A_256 = arith.muli %add3A_220, %mul3A_255 : i32
        %add3A_257 = arith.constant 32 : i32
        %add3A_258 = arith.addi %mul3A_256, %add3A_257 : i32
        %swap3A_259 = arith.constant 0 : index
        %swap3A_260 = arith.index_cast %add3A_258 : i32 to index
        %swap3A_261 = tpu.vector_load %arg9[%swap3A_259, %swap3A_260] {strides = array<i32>} : memref<4x3200xf32, #tpu.memory_space<vmem>>, vector<1x16xf32>,
        %swap3A_262 = vector.shape_cast %swap3A_261 : vector<1x16xf32> to vector<1x16xf32>
        %swap3A_263 = vector.shape_cast %get3A_254 : vector<1x16xf32> to vector<1x16xf32>
        tpu.vector_store %arg9[%swap3A_259, %swap3A_260], %swap3A_263 {strides = array<i32>} : memref<4x3200xf32, #tpu.memory_space<vmem>>, vector<1x16xf32>,
        %add3A_264 = arith.constant 0 : i32
        %add3A_265 = arith.addi %add3A_264, %add3A_220 : i32
        %get3A_266 = arith.index_cast %add3A_265 : i32 to index
        %get3A_267 = arith.constant 48 : index
        %get3A_268 = tpu.vector_load %arg7[%get3A_266, %get3A_267] {strides = array<i32>} : memref<200x128xf32, #tpu.memory_space<vmem>>, vector<1x16xf32>,
        %get3A_269 = vector.shape_cast %get3A_268 : vector<1x16xf32> to vector<1x16xf32>
        %mul3A_270 = arith.constant 64 : i32
        %mul3A_271 = arith.muli %add3A_220, %mul3A_270 : i32
        %add3A_272 = arith.constant 48 : i32
        %add3A_273 = arith.addi %mul3A_271, %add3A_272 : i32
        %swap3A_274 = arith.constant 0 : index
        %swap3A_275 = arith.index_cast %add3A_273 : i32 to index
        %swap3A_276 = tpu.vector_load %arg9[%swap3A_274, %swap3A_275] {strides = array<i32>} : memref<4x3200xf32, #tpu.memory_space<vmem>>, vector<1x16xf32>,
        %swap3A_277 = vector.shape_cast %swap3A_276 : vector<1x16xf32> to vector<1x16xf32>
        %swap3A_278 = vector.shape_cast %get3A_269 : vector<1x16xf32> to vector<1x16xf32>
        tpu.vector_store %arg9[%swap3A_274, %swap3A_275], %swap3A_278 {strides = array<i32>} : memref<4x3200xf32, #tpu.memory_space<vmem>>, vector<1x16xf32>,
      }
      %scan3A_112 = arith.constant 50 : i32
      %scan3A_113 = arith.constant 0 : i32
      %scan3A_114 = arith.constant 50 : i32
      %scan3A_115 = arith.addi %scan3A_113, %scan3A_114 : i32
      %scan3A_116 = arith.constant 1 : i32
      scf.for %scan3A_216 = %scan3A_113 to %scan3A_115 step %scan3A_116  : i32 {
        %mul3A_217 = arith.constant 1 : i32
        %mul3A_218 = arith.muli %scan3A_216, %mul3A_217 : i32
        %add3A_219 = arith.constant 0 : i32
        %add3A_220 = arith.addi %add3A_219, %mul3A_218 : i32
        %add3A_221 = arith.constant 50 : i32
        %add3A_222 = arith.addi %add3A_221, %add3A_220 : i32
        %get3A = arith.index_cast %add3A_222 : i32 to index
        %get3A_223 = arith.constant 0 : index
        %get3A_224 = tpu.vector_load %arg7[%get3A, %get3A_223] {strides = array<i32>} : memref<200x128xf32, #tpu.memory_space<vmem>>, vector<1x16xf32>,
        %get3A_225 = vector.shape_cast %get3A_224 : vector<1x16xf32> to vector<1x16xf32>
        %mul3A_226 = arith.constant 64 : i32
        %mul3A_227 = arith.muli %add3A_220, %mul3A_226 : i32
        %add3A_228 = arith.constant 0 : i32
        %add3A_229 = arith.addi %mul3A_227, %add3A_228 : i32
        %swap3A = arith.constant 1 : index
        %swap3A_230 = arith.index_cast %add3A_229 : i32 to index
        %swap3A_231 = tpu.vector_load %arg9[%swap3A, %swap3A_230] {strides = array<i32>} : memref<4x3200xf32, #tpu.memory_space<vmem>>, vector<1x16xf32>,
        %swap3A_232 = vector.shape_cast %swap3A_231 : vector<1x16xf32> to vector<1x16xf32>
        %swap3A_233 = vector.shape_cast %get3A_225 : vector<1x16xf32> to vector<1x16xf32>
        tpu.vector_store %arg9[%swap3A, %swap3A_230], %swap3A_233 {strides = array<i32>} : memref<4x3200xf32, #tpu.memory_space<vmem>>, vector<1x16xf32>,
        %add3A_234 = arith.constant 50 : i32
        %add3A_235 = arith.addi %add3A_234, %add3A_220 : i32
        %get3A_236 = arith.index_cast %add3A_235 : i32 to index
        %get3A_237 = arith.constant 16 : index
        %get3A_238 = tpu.vector_load %arg7[%get3A_236, %get3A_237] {strides = array<i32>} : memref<200x128xf32, #tpu.memory_space<vmem>>, vector<1x16xf32>,
        %get3A_239 = vector.shape_cast %get3A_238 : vector<1x16xf32> to vector<1x16xf32>
        %mul3A_240 = arith.constant 64 : i32
        %mul3A_241 = arith.muli %add3A_220, %mul3A_240 : i32
        %add3A_242 = arith.constant 16 : i32
        %add3A_243 = arith.addi %mul3A_241, %add3A_242 : i32
        %swap3A_244 = arith.constant 1 : index
        %swap3A_245 = arith.index_cast %add3A_243 : i32 to index
        %swap3A_246 = tpu.vector_load %arg9[%swap3A_244, %swap3A_245] {strides = array<i32>} : memref<4x3200xf32, #tpu.memory_space<vmem>>, vector<1x16xf32>,
        %swap3A_247 = vector.shape_cast %swap3A_246 : vector<1x16xf32> to vector<1x16xf32>
        %swap3A_248 = vector.shape_cast %get3A_239 : vector<1x16xf32> to vector<1x16xf32>
        tpu.vector_store %arg9[%swap3A_244, %swap3A_245], %swap3A_248 {strides = array<i32>} : memref<4x3200xf32, #tpu.memory_space<vmem>>, vector<1x16xf32>,
        %add3A_249 = arith.constant 50 : i32
        %add3A_250 = arith.addi %add3A_249, %add3A_220 : i32
        %get3A_251 = arith.index_cast %add3A_250 : i32 to index
        %get3A_252 = arith.constant 32 : index
        %get3A_253 = tpu.vector_load %arg7[%get3A_251, %get3A_252] {strides = array<i32>} : memref<200x128xf32, #tpu.memory_space<vmem>>, vector<1x16xf32>,
        %get3A_254 = vector.shape_cast %get3A_253 : vector<1x16xf32> to vector<1x16xf32>
        %mul3A_255 = arith.constant 64 : i32
        %mul3A_256 = arith.muli %add3A_220, %mul3A_255 : i32
        %add3A_257 = arith.constant 32 : i32
        %add3A_258 = arith.addi %mul3A_256, %add3A_257 : i32
        %swap3A_259 = arith.constant 1 : index
        %swap3A_260 = arith.index_cast %add3A_258 : i32 to index
        %swap3A_261 = tpu.vector_load %arg9[%swap3A_259, %swap3A_260] {strides = array<i32>} : memref<4x3200xf32, #tpu.memory_space<vmem>>, vector<1x16xf32>,
        %swap3A_262 = vector.shape_cast %swap3A_261 : vector<1x16xf32> to vector<1x16xf32>
        %swap3A_263 = vector.shape_cast %get3A_254 : vector<1x16xf32> to vector<1x16xf32>
        tpu.vector_store %arg9[%swap3A_259, %swap3A_260], %swap3A_263 {strides = array<i32>} : memref<4x3200xf32, #tpu.memory_space<vmem>>, vector<1x16xf32>,
        %add3A_264 = arith.constant 50 : i32
        %add3A_265 = arith.addi %add3A_264, %add3A_220 : i32
        %get3A_266 = arith.index_cast %add3A_265 : i32 to index
        %get3A_267 = arith.constant 48 : index
        %get3A_268 = tpu.vector_load %arg7[%get3A_266, %get3A_267] {strides = array<i32>} : memref<200x128xf32, #tpu.memory_space<vmem>>, vector<1x16xf32>,
        %get3A_269 = vector.shape_cast %get3A_268 : vector<1x16xf32> to vector<1x16xf32>
        %mul3A_270 = arith.constant 64 : i32
        %mul3A_271 = arith.muli %add3A_220, %mul3A_270 : i32
        %add3A_272 = arith.constant 48 : i32
        %add3A_273 = arith.addi %mul3A_271, %add3A_272 : i32
        %swap3A_274 = arith.constant 1 : index
        %swap3A_275 = arith.index_cast %add3A_273 : i32 to index
        %swap3A_276 = tpu.vector_load %arg9[%swap3A_274, %swap3A_275] {strides = array<i32>} : memref<4x3200xf32, #tpu.memory_space<vmem>>, vector<1x16xf32>,
        %swap3A_277 = vector.shape_cast %swap3A_276 : vector<1x16xf32> to vector<1x16xf32>
        %swap3A_278 = vector.shape_cast %get3A_269 : vector<1x16xf32> to vector<1x16xf32>
        tpu.vector_store %arg9[%swap3A_274, %swap3A_275], %swap3A_278 {strides = array<i32>} : memref<4x3200xf32, #tpu.memory_space<vmem>>, vector<1x16xf32>,
      }
      %scan3A_117 = arith.constant 50 : i32
      %scan3A_118 = arith.constant 0 : i32
      %scan3A_119 = arith.constant 50 : i32
      %scan3A_120 = arith.addi %scan3A_118, %scan3A_119 : i32
      %scan3A_121 = arith.constant 1 : i32
      scf.for %scan3A_216 = %scan3A_118 to %scan3A_120 step %scan3A_121  : i32 {
        %mul3A_217 = arith.constant 1 : i32
        %mul3A_218 = arith.muli %scan3A_216, %mul3A_217 : i32
        %add3A_219 = arith.constant 0 : i32
        %add3A_220 = arith.addi %add3A_219, %mul3A_218 : i32
        %add3A_221 = arith.constant 100 : i32
        %add3A_222 = arith.addi %add3A_221, %add3A_220 : i32
        %get3A = arith.index_cast %add3A_222 : i32 to index
        %get3A_223 = arith.constant 0 : index
        %get3A_224 = tpu.vector_load %arg7[%get3A, %get3A_223] {strides = array<i32>} : memref<200x128xf32, #tpu.memory_space<vmem>>, vector<1x16xf32>,
        %get3A_225 = vector.shape_cast %get3A_224 : vector<1x16xf32> to vector<1x16xf32>
        %mul3A_226 = arith.constant 64 : i32
        %mul3A_227 = arith.muli %add3A_220, %mul3A_226 : i32
        %add3A_228 = arith.constant 0 : i32
        %add3A_229 = arith.addi %mul3A_227, %add3A_228 : i32
        %swap3A = arith.constant 2 : index
        %swap3A_230 = arith.index_cast %add3A_229 : i32 to index
        %swap3A_231 = tpu.vector_load %arg9[%swap3A, %swap3A_230] {strides = array<i32>} : memref<4x3200xf32, #tpu.memory_space<vmem>>, vector<1x16xf32>,
        %swap3A_232 = vector.shape_cast %swap3A_231 : vector<1x16xf32> to vector<1x16xf32>
        %swap3A_233 = vector.shape_cast %get3A_225 : vector<1x16xf32> to vector<1x16xf32>
        tpu.vector_store %arg9[%swap3A, %swap3A_230], %swap3A_233 {strides = array<i32>} : memref<4x3200xf32, #tpu.memory_space<vmem>>, vector<1x16xf32>,
        %add3A_234 = arith.constant 100 : i32
        %add3A_235 = arith.addi %add3A_234, %add3A_220 : i32
        %get3A_236 = arith.index_cast %add3A_235 : i32 to index
        %get3A_237 = arith.constant 16 : index
        %get3A_238 = tpu.vector_load %arg7[%get3A_236, %get3A_237] {strides = array<i32>} : memref<200x128xf32, #tpu.memory_space<vmem>>, vector<1x16xf32>,
        %get3A_239 = vector.shape_cast %get3A_238 : vector<1x16xf32> to vector<1x16xf32>
        %mul3A_240 = arith.constant 64 : i32
        %mul3A_241 = arith.muli %add3A_220, %mul3A_240 : i32
        %add3A_242 = arith.constant 16 : i32
        %add3A_243 = arith.addi %mul3A_241, %add3A_242 : i32
        %swap3A_244 = arith.constant 2 : index
        %swap3A_245 = arith.index_cast %add3A_243 : i32 to index
        %swap3A_246 = tpu.vector_load %arg9[%swap3A_244, %swap3A_245] {strides = array<i32>} : memref<4x3200xf32, #tpu.memory_space<vmem>>, vector<1x16xf32>,
        %swap3A_247 = vector.shape_cast %swap3A_246 : vector<1x16xf32> to vector<1x16xf32>
        %swap3A_248 = vector.shape_cast %get3A_239 : vector<1x16xf32> to vector<1x16xf32>
        tpu.vector_store %arg9[%swap3A_244, %swap3A_245], %swap3A_248 {strides = array<i32>} : memref<4x3200xf32, #tpu.memory_space<vmem>>, vector<1x16xf32>,
        %add3A_249 = arith.constant 100 : i32
        %add3A_250 = arith.addi %add3A_249, %add3A_220 : i32
        %get3A_251 = arith.index_cast %add3A_250 : i32 to index
        %get3A_252 = arith.constant 32 : index
        %get3A_253 = tpu.vector_load %arg7[%get3A_251, %get3A_252] {strides = array<i32>} : memref<200x128xf32, #tpu.memory_space<vmem>>, vector<1x16xf32>,
        %get3A_254 = vector.shape_cast %get3A_253 : vector<1x16xf32> to vector<1x16xf32>
        %mul3A_255 = arith.constant 64 : i32
        %mul3A_256 = arith.muli %add3A_220, %mul3A_255 : i32
        %add3A_257 = arith.constant 32 : i32
        %add3A_258 = arith.addi %mul3A_256, %add3A_257 : i32
        %swap3A_259 = arith.constant 2 : index
        %swap3A_260 = arith.index_cast %add3A_258 : i32 to index
        %swap3A_261 = tpu.vector_load %arg9[%swap3A_259, %swap3A_260] {strides = array<i32>} : memref<4x3200xf32, #tpu.memory_space<vmem>>, vector<1x16xf32>,
        %swap3A_262 = vector.shape_cast %swap3A_261 : vector<1x16xf32> to vector<1x16xf32>
        %swap3A_263 = vector.shape_cast %get3A_254 : vector<1x16xf32> to vector<1x16xf32>
        tpu.vector_store %arg9[%swap3A_259, %swap3A_260], %swap3A_263 {strides = array<i32>} : memref<4x3200xf32, #tpu.memory_space<vmem>>, vector<1x16xf32>,
        %add3A_264 = arith.constant 100 : i32
        %add3A_265 = arith.addi %add3A_264, %add3A_220 : i32
        %get3A_266 = arith.index_cast %add3A_265 : i32 to index
        %get3A_267 = arith.constant 48 : index
        %get3A_268 = tpu.vector_load %arg7[%get3A_266, %get3A_267] {strides = array<i32>} : memref<200x128xf32, #tpu.memory_space<vmem>>, vector<1x16xf32>,
        %get3A_269 = vector.shape_cast %get3A_268 : vector<1x16xf32> to vector<1x16xf32>
        %mul3A_270 = arith.constant 64 : i32
        %mul3A_271 = arith.muli %add3A_220, %mul3A_270 : i32
        %add3A_272 = arith.constant 48 : i32
        %add3A_273 = arith.addi %mul3A_271, %add3A_272 : i32
        %swap3A_274 = arith.constant 2 : index
        %swap3A_275 = arith.index_cast %add3A_273 : i32 to index
        %swap3A_276 = tpu.vector_load %arg9[%swap3A_274, %swap3A_275] {strides = array<i32>} : memref<4x3200xf32, #tpu.memory_space<vmem>>, vector<1x16xf32>,
        %swap3A_277 = vector.shape_cast %swap3A_276 : vector<1x16xf32> to vector<1x16xf32>
        %swap3A_278 = vector.shape_cast %get3A_269 : vector<1x16xf32> to vector<1x16xf32>
        tpu.vector_store %arg9[%swap3A_274, %swap3A_275], %swap3A_278 {strides = array<i32>} : memref<4x3200xf32, #tpu.memory_space<vmem>>, vector<1x16xf32>,
      }
      %scan3A_122 = arith.constant 50 : i32
      %scan3A_123 = arith.constant 0 : i32
      %scan3A_124 = arith.constant 50 : i32
      %scan3A_125 = arith.addi %scan3A_123, %scan3A_124 : i32
      %scan3A_126 = arith.constant 1 : i32
      scf.for %scan3A_216 = %scan3A_123 to %scan3A_125 step %scan3A_126  : i32 {
        %mul3A_217 = arith.constant 1 : i32
        %mul3A_218 = arith.muli %scan3A_216, %mul3A_217 : i32
        %add3A_219 = arith.constant 0 : i32
        %add3A_220 = arith.addi %add3A_219, %mul3A_218 : i32
        %add3A_221 = arith.constant 150 : i32
        %add3A_222 = arith.addi %add3A_221, %add3A_220 : i32
        %get3A = arith.index_cast %add3A_222 : i32 to index
        %get3A_223 = arith.constant 0 : index
        %get3A_224 = tpu.vector_load %arg7[%get3A, %get3A_223] {strides = array<i32>} : memref<200x128xf32, #tpu.memory_space<vmem>>, vector<1x16xf32>,
        %get3A_225 = vector.shape_cast %get3A_224 : vector<1x16xf32> to vector<1x16xf32>
        %mul3A_226 = arith.constant 64 : i32
        %mul3A_227 = arith.muli %add3A_220, %mul3A_226 : i32
        %add3A_228 = arith.constant 0 : i32
        %add3A_229 = arith.addi %mul3A_227, %add3A_228 : i32
        %swap3A = arith.constant 3 : index
        %swap3A_230 = arith.index_cast %add3A_229 : i32 to index
        %swap3A_231 = tpu.vector_load %arg9[%swap3A, %swap3A_230] {strides = array<i32>} : memref<4x3200xf32, #tpu.memory_space<vmem>>, vector<1x16xf32>,
        %swap3A_232 = vector.shape_cast %swap3A_231 : vector<1x16xf32> to vector<1x16xf32>
        %swap3A_233 = vector.shape_cast %get3A_225 : vector<1x16xf32> to vector<1x16xf32>
        tpu.vector_store %arg9[%swap3A, %swap3A_230], %swap3A_233 {strides = array<i32>} : memref<4x3200xf32, #tpu.memory_space<vmem>>, vector<1x16xf32>,
        %add3A_234 = arith.constant 150 : i32
        %add3A_235 = arith.addi %add3A_234, %add3A_220 : i32
        %get3A_236 = arith.index_cast %add3A_235 : i32 to index
        %get3A_237 = arith.constant 16 : index
        %get3A_238 = tpu.vector_load %arg7[%get3A_236, %get3A_237] {strides = array<i32>} : memref<200x128xf32, #tpu.memory_space<vmem>>, vector<1x16xf32>,
        %get3A_239 = vector.shape_cast %get3A_238 : vector<1x16xf32> to vector<1x16xf32>
        %mul3A_240 = arith.constant 64 : i32
        %mul3A_241 = arith.muli %add3A_220, %mul3A_240 : i32
        %add3A_242 = arith.constant 16 : i32
        %add3A_243 = arith.addi %mul3A_241, %add3A_242 : i32
        %swap3A_244 = arith.constant 3 : index
        %swap3A_245 = arith.index_cast %add3A_243 : i32 to index
        %swap3A_246 = tpu.vector_load %arg9[%swap3A_244, %swap3A_245] {strides = array<i32>} : memref<4x3200xf32, #tpu.memory_space<vmem>>, vector<1x16xf32>,
        %swap3A_247 = vector.shape_cast %swap3A_246 : vector<1x16xf32> to vector<1x16xf32>
        %swap3A_248 = vector.shape_cast %get3A_239 : vector<1x16xf32> to vector<1x16xf32>
        tpu.vector_store %arg9[%swap3A_244, %swap3A_245], %swap3A_248 {strides = array<i32>} : memref<4x3200xf32, #tpu.memory_space<vmem>>, vector<1x16xf32>,
        %add3A_249 = arith.constant 150 : i32
        %add3A_250 = arith.addi %add3A_249, %add3A_220 : i32
        %get3A_251 = arith.index_cast %add3A_250 : i32 to index
        %get3A_252 = arith.constant 32 : index
        %get3A_253 = tpu.vector_load %arg7[%get3A_251, %get3A_252] {strides = array<i32>} : memref<200x128xf32, #tpu.memory_space<vmem>>, vector<1x16xf32>,
        %get3A_254 = vector.shape_cast %get3A_253 : vector<1x16xf32> to vector<1x16xf32>
        %mul3A_255 = arith.constant 64 : i32
        %mul3A_256 = arith.muli %add3A_220, %mul3A_255 : i32
        %add3A_257 = arith.constant 32 : i32
        %add3A_258 = arith.addi %mul3A_256, %add3A_257 : i32
        %swap3A_259 = arith.constant 3 : index
        %swap3A_260 = arith.index_cast %add3A_258 : i32 to index
        %swap3A_261 = tpu.vector_load %arg9[%swap3A_259, %swap3A_260] {strides = array<i32>} : memref<4x3200xf32, #tpu.memory_space<vmem>>, vector<1x16xf32>,
        %swap3A_262 = vector.shape_cast %swap3A_261 : vector<1x16xf32> to vector<1x16xf32>
        %swap3A_263 = vector.shape_cast %get3A_254 : vector<1x16xf32> to vector<1x16xf32>
        tpu.vector_store %arg9[%swap3A_259, %swap3A_260], %swap3A_263 {strides = array<i32>} : memref<4x3200xf32, #tpu.memory_space<vmem>>, vector<1x16xf32>,
        %add3A_264 = arith.constant 150 : i32
        %add3A_265 = arith.addi %add3A_264, %add3A_220 : i32
        %get3A_266 = arith.index_cast %add3A_265 : i32 to index
        %get3A_267 = arith.constant 48 : index
        %get3A_268 = tpu.vector_load %arg7[%get3A_266, %get3A_267] {strides = array<i32>} : memref<200x128xf32, #tpu.memory_space<vmem>>, vector<1x16xf32>,
        %get3A_269 = vector.shape_cast %get3A_268 : vector<1x16xf32> to vector<1x16xf32>
        %mul3A_270 = arith.constant 64 : i32
        %mul3A_271 = arith.muli %add3A_220, %mul3A_270 : i32
        %add3A_272 = arith.constant 48 : i32
        %add3A_273 = arith.addi %mul3A_271, %add3A_272 : i32
        %swap3A_274 = arith.constant 3 : index
        %swap3A_275 = arith.index_cast %add3A_273 : i32 to index
        %swap3A_276 = tpu.vector_load %arg9[%swap3A_274, %swap3A_275] {strides = array<i32>} : memref<4x3200xf32, #tpu.memory_space<vmem>>, vector<1x16xf32>,
        %swap3A_277 = vector.shape_cast %swap3A_276 : vector<1x16xf32> to vector<1x16xf32>
        %swap3A_278 = vector.shape_cast %get3A_269 : vector<1x16xf32> to vector<1x16xf32>
        tpu.vector_store %arg9[%swap3A_274, %swap3A_275], %swap3A_278 {strides = array<i32>} : memref<4x3200xf32, #tpu.memory_space<vmem>>, vector<1x16xf32>,
      }
      %scan3A_127 = arith.constant 50 : i32
      %mul3A_128 = arith.constant 4 : i32
      %mul3A_129 = arith.muli %add3A_59, %mul3A_128 : i32
      %add3A_130 = arith.addi %mul3A_2, %mul3A_129 : i32
      %dma_start3A_131 = arith.constant 0 : i32
      %dma_start3A_132 = tpu.memref_slice %arg4[%add3A_130, %dma_start3A_131] : memref<16384x3200xf32, #tpu.memory_space<hbm>> -> memref<4x3200xf32, #tpu.memory_space<hbm>>
      %dma_start3A_133 = arith.constant 0 : i32
      %dma_start3A_134 = tpu.memref_slice %arg4[%add3A_130, %dma_start3A_133] : memref<16384x3200xf32, #tpu.memory_space<hbm>> -> memref<4x3200xf32, #tpu.memory_space<hbm>>
      tpu.enqueue_dma source(%arg9 : memref<4x3200xf32, #tpu.memory_space<vmem>>) target(%dma_start3A_134 : memref<4x3200xf32, #tpu.memory_space<hbm>>) target_semaphore(%arg13 : memref<!tpu.dma_semaphore, #tpu.memory_space<semaphore_mem>>)
      %add3A_135 = arith.constant 1 : i32
      %add3A_136 = arith.addi %add3A_59, %add3A_135 : i32
      %dma_wait3A_137 = arith.constant 0 : i32
      %dma_wait3A_138 = arith.constant 0 : i32
      %dma_wait3A_139 = arith.constant 0 : i32
      %dma_wait3A_140 = tpu.memref_slice %arg8[%dma_wait3A_138, %dma_wait3A_139] : memref<200x128xf32, #tpu.memory_space<vmem>> -> memref<50x128xf32, #tpu.memory_space<vmem>>
      %dma_wait3A_141 = arith.constant 0 : i32
      %dma_wait3A_142 = tpu.memref_slice %arg6[%dma_wait3A_137, %dma_wait3A_141] : memref<4x128xi32, #tpu.memory_space<vmem>> -> memref<1x50xi32, #tpu.memory_space<vmem>>
      %dma_wait3A_143 = tpu.memref_squeeze %dma_wait3A_142 : memref<1x50xi32, #tpu.memory_space<vmem>> -> memref<50xi32, #tpu.memory_space<vmem>>
      %dma_wait3A_144 = arith.constant 0 : i32
      %dma_wait3A_145 = arith.constant 0 : i32
      %dma_wait3A_146 = tpu.memref_slice %arg2[%dma_wait3A_144, %dma_wait3A_145] : memref<1000000x128xf32, #tpu.memory_space<hbm>> -> memref<1000000x128xf32, #tpu.memory_space<hbm>>
      tpu.wait_indirect_dma semaphore(%arg12 : memref<!tpu.dma_semaphore, #tpu.memory_space<semaphore_mem>>) src(%dma_wait3A_146 : memref<1000000x128xf32, #tpu.memory_space<hbm>>) dst(%dma_wait3A_140 : memref<50x128xf32, #tpu.memory_space<vmem>>)
      %dma_wait3A_147 = arith.constant 1 : i32
      %dma_wait3A_148 = arith.constant 50 : i32
      %dma_wait3A_149 = arith.constant 0 : i32
      %dma_wait3A_150 = tpu.memref_slice %arg8[%dma_wait3A_148, %dma_wait3A_149] : memref<200x128xf32, #tpu.memory_space<vmem>> -> memref<50x128xf32, #tpu.memory_space<vmem>>
      %dma_wait3A_151 = arith.constant 0 : i32
      %dma_wait3A_152 = tpu.memref_slice %arg6[%dma_wait3A_147, %dma_wait3A_151] : memref<4x128xi32, #tpu.memory_space<vmem>> -> memref<1x50xi32, #tpu.memory_space<vmem>>
      %dma_wait3A_153 = tpu.memref_squeeze %dma_wait3A_152 : memref<1x50xi32, #tpu.memory_space<vmem>> -> memref<50xi32, #tpu.memory_space<vmem>>
      %dma_wait3A_154 = arith.constant 0 : i32
      %dma_wait3A_155 = arith.constant 0 : i32
      %dma_wait3A_156 = tpu.memref_slice %arg2[%dma_wait3A_154, %dma_wait3A_155] : memref<1000000x128xf32, #tpu.memory_space<hbm>> -> memref<1000000x128xf32, #tpu.memory_space<hbm>>
      tpu.wait_indirect_dma semaphore(%arg12 : memref<!tpu.dma_semaphore, #tpu.memory_space<semaphore_mem>>) src(%dma_wait3A_156 : memref<1000000x128xf32, #tpu.memory_space<hbm>>) dst(%dma_wait3A_150 : memref<50x128xf32, #tpu.memory_space<vmem>>)
      %dma_wait3A_157 = arith.constant 2 : i32
      %dma_wait3A_158 = arith.constant 100 : i32
      %dma_wait3A_159 = arith.constant 0 : i32
      %dma_wait3A_160 = tpu.memref_slice %arg8[%dma_wait3A_158, %dma_wait3A_159] : memref<200x128xf32, #tpu.memory_space<vmem>> -> memref<50x128xf32, #tpu.memory_space<vmem>>
      %dma_wait3A_161 = arith.constant 0 : i32
      %dma_wait3A_162 = tpu.memref_slice %arg6[%dma_wait3A_157, %dma_wait3A_161] : memref<4x128xi32, #tpu.memory_space<vmem>> -> memref<1x50xi32, #tpu.memory_space<vmem>>
      %dma_wait3A_163 = tpu.memref_squeeze %dma_wait3A_162 : memref<1x50xi32, #tpu.memory_space<vmem>> -> memref<50xi32, #tpu.memory_space<vmem>>
      %dma_wait3A_164 = arith.constant 0 : i32
      %dma_wait3A_165 = arith.constant 0 : i32
      %dma_wait3A_166 = tpu.memref_slice %arg2[%dma_wait3A_164, %dma_wait3A_165] : memref<1000000x128xf32, #tpu.memory_space<hbm>> -> memref<1000000x128xf32, #tpu.memory_space<hbm>>
      tpu.wait_indirect_dma semaphore(%arg12 : memref<!tpu.dma_semaphore, #tpu.memory_space<semaphore_mem>>) src(%dma_wait3A_166 : memref<1000000x128xf32, #tpu.memory_space<hbm>>) dst(%dma_wait3A_160 : memref<50x128xf32, #tpu.memory_space<vmem>>)
      %dma_wait3A_167 = arith.constant 3 : i32
      %dma_wait3A_168 = arith.constant 150 : i32
      %dma_wait3A_169 = arith.constant 0 : i32
      %dma_wait3A_170 = tpu.memref_slice %arg8[%dma_wait3A_168, %dma_wait3A_169] : memref<200x128xf32, #tpu.memory_space<vmem>> -> memref<50x128xf32, #tpu.memory_space<vmem>>
      %dma_wait3A_171 = arith.constant 0 : i32
      %dma_wait3A_172 = tpu.memref_slice %arg6[%dma_wait3A_167, %dma_wait3A_171] : memref<4x128xi32, #tpu.memory_space<vmem>> -> memref<1x50xi32, #tpu.memory_space<vmem>>
      %dma_wait3A_173 = tpu.memref_squeeze %dma_wait3A_172 : memref<1x50xi32, #tpu.memory_space<vmem>> -> memref<50xi32, #tpu.memory_space<vmem>>
      %dma_wait3A_174 = arith.constant 0 : i32
      %dma_wait3A_175 = arith.constant 0 : i32
      %dma_wait3A_176 = tpu.memref_slice %arg2[%dma_wait3A_174, %dma_wait3A_175] : memref<1000000x128xf32, #tpu.memory_space<hbm>> -> memref<1000000x128xf32, #tpu.memory_space<hbm>>
      tpu.wait_indirect_dma semaphore(%arg12 : memref<!tpu.dma_semaphore, #tpu.memory_space<semaphore_mem>>) src(%dma_wait3A_176 : memref<1000000x128xf32, #tpu.memory_space<hbm>>) dst(%dma_wait3A_170 : memref<50x128xf32, #tpu.memory_space<vmem>>)
      %add3A_177 = arith.constant 1 : i32
      %add3A_178 = arith.addi %add3A_136, %add3A_177 : i32
      %lt3A_179 = arith.constant 128 : i32
      %lt3A_180 = arith.cmpi slt, %add3A_178, %lt3A_179 : i32
      %convert_element_type3A_181 = arith.extui %lt3A_180 : i1 to i32
      %cond3A_182 = arith.constant 0 : i32
      %cond3A_183 = arith.cmpi ne, %convert_element_type3A_181, %cond3A_182 : i32
      scf.if %cond3A_183 {
        %add3A_216 = arith.constant 1 : i32
        %add3A_217 = arith.addi %add3A_136, %add3A_216 : i32
        %mul3A_218 = arith.constant 4 : i32
        %mul3A_219 = arith.muli %add3A_217, %mul3A_218 : i32
        %add3A_220 = arith.addi %mul3A_2, %mul3A_219 : i32
        "tpu.region"() ({
          %run_scoped3A = tpu.sem_alloc : memref<!tpu.dma_semaphore, #tpu.memory_space<semaphore_mem>>
          %dma_start3A_261 = arith.constant 0 : i32
          %dma_start3A_262 = tpu.memref_slice %arg3[%add3A_220, %dma_start3A_261] : memref<16384x128xi32, #tpu.memory_space<hbm>> -> memref<4x128xi32, #tpu.memory_space<hbm>>
          %dma_start3A_263 = arith.constant 0 : i32
          %dma_start3A_264 = tpu.memref_slice %arg3[%add3A_220, %dma_start3A_263] : memref<16384x128xi32, #tpu.memory_space<hbm>> -> memref<4x128xi32, #tpu.memory_space<hbm>>
          tpu.enqueue_dma source(%dma_start3A_264 : memref<4x128xi32, #tpu.memory_space<hbm>>) target(%arg5 : memref<4x128xi32, #tpu.memory_space<vmem>>) target_semaphore(%run_scoped3A : memref<!tpu.dma_semaphore, #tpu.memory_space<semaphore_mem>>)
          %dma_wait3A_265 = arith.constant 0 : i32
          %dma_wait3A_266 = tpu.memref_slice %arg3[%add3A_220, %dma_wait3A_265] : memref<16384x128xi32, #tpu.memory_space<hbm>> -> memref<4x128xi32, #tpu.memory_space<hbm>>
          %dma_wait3A_267 = arith.constant 0 : i32
          %dma_wait3A_268 = tpu.memref_slice %arg3[%add3A_220, %dma_wait3A_267] : memref<16384x128xi32, #tpu.memory_space<hbm>> -> memref<4x128xi32, #tpu.memory_space<hbm>>
          tpu.wait_dma2 semaphore(%run_scoped3A : memref<!tpu.dma_semaphore, #tpu.memory_space<semaphore_mem>>) src(%dma_wait3A_268 : memref<4x128xi32, #tpu.memory_space<hbm>>) dst(%arg5 : memref<4x128xi32, #tpu.memory_space<vmem>>)
          tpu.yield
        }) : () -> ()
        %dma_start3A_221 = arith.constant 0 : i32
        %dma_start3A_222 = arith.constant 0 : i32
        %dma_start3A_223 = arith.constant 0 : i32
        %dma_start3A_224 = tpu.memref_slice %arg7[%dma_start3A_222, %dma_start3A_223] : memref<200x128xf32, #tpu.memory_space<vmem>> -> memref<50x128xf32, #tpu.memory_space<vmem>>
        %dma_start3A_225 = arith.constant 0 : i32
        %dma_start3A_226 = tpu.memref_slice %arg5[%dma_start3A_221, %dma_start3A_225] : memref<4x128xi32, #tpu.memory_space<vmem>> -> memref<1x50xi32, #tpu.memory_space<vmem>>
        %dma_start3A_227 = tpu.memref_squeeze %dma_start3A_226 : memref<1x50xi32, #tpu.memory_space<vmem>> -> memref<50xi32, #tpu.memory_space<vmem>>
        %dma_start3A_228 = arith.constant 0 : i32
        %dma_start3A_229 = arith.constant 0 : i32
        %dma_start3A_230 = tpu.memref_slice %arg2[%dma_start3A_228, %dma_start3A_229] : memref<1000000x128xf32, #tpu.memory_space<hbm>> -> memref<1000000x128xf32, #tpu.memory_space<hbm>>
        tpu.enqueue_indirect_dma source(%dma_start3A_230 : memref<1000000x128xf32, #tpu.memory_space<hbm>>) target(%dma_start3A_224 : memref<50x128xf32, #tpu.memory_space<vmem>>) offsets(%dma_start3A_227 : memref<50xi32, #tpu.memory_space<vmem>>) semaphore(%arg11 : memref<!tpu.dma_semaphore, #tpu.memory_space<semaphore_mem>>)
        %dma_start3A_231 = arith.constant 1 : i32
        %dma_start3A_232 = arith.constant 50 : i32
        %dma_start3A_233 = arith.constant 0 : i32
        %dma_start3A_234 = tpu.memref_slice %arg7[%dma_start3A_232, %dma_start3A_233] : memref<200x128xf32, #tpu.memory_space<vmem>> -> memref<50x128xf32, #tpu.memory_space<vmem>>
        %dma_start3A_235 = arith.constant 0 : i32
        %dma_start3A_236 = tpu.memref_slice %arg5[%dma_start3A_231, %dma_start3A_235] : memref<4x128xi32, #tpu.memory_space<vmem>> -> memref<1x50xi32, #tpu.memory_space<vmem>>
        %dma_start3A_237 = tpu.memref_squeeze %dma_start3A_236 : memref<1x50xi32, #tpu.memory_space<vmem>> -> memref<50xi32, #tpu.memory_space<vmem>>
        %dma_start3A_238 = arith.constant 0 : i32
        %dma_start3A_239 = arith.constant 0 : i32
        %dma_start3A_240 = tpu.memref_slice %arg2[%dma_start3A_238, %dma_start3A_239] : memref<1000000x128xf32, #tpu.memory_space<hbm>> -> memref<1000000x128xf32, #tpu.memory_space<hbm>>
        tpu.enqueue_indirect_dma source(%dma_start3A_240 : memref<1000000x128xf32, #tpu.memory_space<hbm>>) target(%dma_start3A_234 : memref<50x128xf32, #tpu.memory_space<vmem>>) offsets(%dma_start3A_237 : memref<50xi32, #tpu.memory_space<vmem>>) semaphore(%arg11 : memref<!tpu.dma_semaphore, #tpu.memory_space<semaphore_mem>>)
        %dma_start3A_241 = arith.constant 2 : i32
        %dma_start3A_242 = arith.constant 100 : i32
        %dma_start3A_243 = arith.constant 0 : i32
        %dma_start3A_244 = tpu.memref_slice %arg7[%dma_start3A_242, %dma_start3A_243] : memref<200x128xf32, #tpu.memory_space<vmem>> -> memref<50x128xf32, #tpu.memory_space<vmem>>
        %dma_start3A_245 = arith.constant 0 : i32
        %dma_start3A_246 = tpu.memref_slice %arg5[%dma_start3A_241, %dma_start3A_245] : memref<4x128xi32, #tpu.memory_space<vmem>> -> memref<1x50xi32, #tpu.memory_space<vmem>>
        %dma_start3A_247 = tpu.memref_squeeze %dma_start3A_246 : memref<1x50xi32, #tpu.memory_space<vmem>> -> memref<50xi32, #tpu.memory_space<vmem>>
        %dma_start3A_248 = arith.constant 0 : i32
        %dma_start3A_249 = arith.constant 0 : i32
        %dma_start3A_250 = tpu.memref_slice %arg2[%dma_start3A_248, %dma_start3A_249] : memref<1000000x128xf32, #tpu.memory_space<hbm>> -> memref<1000000x128xf32, #tpu.memory_space<hbm>>
        tpu.enqueue_indirect_dma source(%dma_start3A_250 : memref<1000000x128xf32, #tpu.memory_space<hbm>>) target(%dma_start3A_244 : memref<50x128xf32, #tpu.memory_space<vmem>>) offsets(%dma_start3A_247 : memref<50xi32, #tpu.memory_space<vmem>>) semaphore(%arg11 : memref<!tpu.dma_semaphore, #tpu.memory_space<semaphore_mem>>)
        %dma_start3A_251 = arith.constant 3 : i32
        %dma_start3A_252 = arith.constant 150 : i32
        %dma_start3A_253 = arith.constant 0 : i32
        %dma_start3A_254 = tpu.memref_slice %arg7[%dma_start3A_252, %dma_start3A_253] : memref<200x128xf32, #tpu.memory_space<vmem>> -> memref<50x128xf32, #tpu.memory_space<vmem>>
        %dma_start3A_255 = arith.constant 0 : i32
        %dma_start3A_256 = tpu.memref_slice %arg5[%dma_start3A_251, %dma_start3A_255] : memref<4x128xi32, #tpu.memory_space<vmem>> -> memref<1x50xi32, #tpu.memory_space<vmem>>
        %dma_start3A_257 = tpu.memref_squeeze %dma_start3A_256 : memref<1x50xi32, #tpu.memory_space<vmem>> -> memref<50xi32, #tpu.memory_space<vmem>>
        %dma_start3A_258 = arith.constant 0 : i32
        %dma_start3A_259 = arith.constant 0 : i32
        %dma_start3A_260 = tpu.memref_slice %arg2[%dma_start3A_258, %dma_start3A_259] : memref<1000000x128xf32, #tpu.memory_space<hbm>> -> memref<1000000x128xf32, #tpu.memory_space<hbm>>
        tpu.enqueue_indirect_dma source(%dma_start3A_260 : memref<1000000x128xf32, #tpu.memory_space<hbm>>) target(%dma_start3A_254 : memref<50x128xf32, #tpu.memory_space<vmem>>) offsets(%dma_start3A_257 : memref<50xi32, #tpu.memory_space<vmem>>) semaphore(%arg11 : memref<!tpu.dma_semaphore, #tpu.memory_space<semaphore_mem>>)
      } else {
      }
      %ge3A_184 = arith.constant 2 : i32
      %ge3A_185 = arith.cmpi sge, %add3A_136, %ge3A_184 : i32
      %convert_element_type3A_186 = arith.extui %ge3A_185 : i1 to i32
      %cond3A_187 = arith.constant 0 : i32
      %cond3A_188 = arith.cmpi ne, %convert_element_type3A_186, %cond3A_187 : i32
      scf.if %cond3A_188 {
        %dma_wait3A_216 = arith.constant 0 : i32
        %dma_wait3A_217 = tpu.memref_slice %arg4[%mul3A_2, %dma_wait3A_216] : memref<16384x3200xf32, #tpu.memory_space<hbm>> -> memref<4x3200xf32, #tpu.memory_space<hbm>>
        %dma_wait3A_218 = arith.constant 0 : i32
        %dma_wait3A_219 = tpu.memref_slice %arg4[%mul3A_2, %dma_wait3A_218] : memref<16384x3200xf32, #tpu.memory_space<hbm>> -> memref<4x3200xf32, #tpu.memory_space<hbm>>
        tpu.wait_dma2 semaphore(%arg14 : memref<!tpu.dma_semaphore, #tpu.memory_space<semaphore_mem>>) src(%arg10 : memref<4x3200xf32, #tpu.memory_space<vmem>>) dst(%dma_wait3A_219 : memref<4x3200xf32, #tpu.memory_space<hbm>>)
      } else {
      }
      %scan3A_189 = arith.constant 0 : i32
      %scan3A_190 = arith.constant 50 : i32
      %scan3A_191 = arith.addi %scan3A_189, %scan3A_190 : i32
      %scan3A_192 = arith.constant 1 : i32
      scf.for %scan3A_216 = %scan3A_189 to %scan3A_191 step %scan3A_192  : i32 {
        %mul3A_217 = arith.constant 1 : i32
        %mul3A_218 = arith.muli %scan3A_216, %mul3A_217 : i32
        %add3A_219 = arith.constant 0 : i32
        %add3A_220 = arith.addi %add3A_219, %mul3A_218 : i32
        %add3A_221 = arith.constant 0 : i32
        %add3A_222 = arith.addi %add3A_221, %add3A_220 : i32
        %get3A = arith.index_cast %add3A_222 : i32 to index
        %get3A_223 = arith.constant 0 : index
        %get3A_224 = tpu.vector_load %arg8[%get3A, %get3A_223] {strides = array<i32>} : memref<200x128xf32, #tpu.memory_space<vmem>>, vector<1x16xf32>,
        %get3A_225 = vector.shape_cast %get3A_224 : vector<1x16xf32> to vector<1x16xf32>
        %mul3A_226 = arith.constant 64 : i32
        %mul3A_227 = arith.muli %add3A_220, %mul3A_226 : i32
        %add3A_228 = arith.constant 0 : i32
        %add3A_229 = arith.addi %mul3A_227, %add3A_228 : i32
        %swap3A = arith.constant 0 : index
        %swap3A_230 = arith.index_cast %add3A_229 : i32 to index
        %swap3A_231 = tpu.vector_load %arg10[%swap3A, %swap3A_230] {strides = array<i32>} : memref<4x3200xf32, #tpu.memory_space<vmem>>, vector<1x16xf32>,
        %swap3A_232 = vector.shape_cast %swap3A_231 : vector<1x16xf32> to vector<1x16xf32>
        %swap3A_233 = vector.shape_cast %get3A_225 : vector<1x16xf32> to vector<1x16xf32>
        tpu.vector_store %arg10[%swap3A, %swap3A_230], %swap3A_233 {strides = array<i32>} : memref<4x3200xf32, #tpu.memory_space<vmem>>, vector<1x16xf32>,
        %add3A_234 = arith.constant 0 : i32
        %add3A_235 = arith.addi %add3A_234, %add3A_220 : i32
        %get3A_236 = arith.index_cast %add3A_235 : i32 to index
        %get3A_237 = arith.constant 16 : index
        %get3A_238 = tpu.vector_load %arg8[%get3A_236, %get3A_237] {strides = array<i32>} : memref<200x128xf32, #tpu.memory_space<vmem>>, vector<1x16xf32>,
        %get3A_239 = vector.shape_cast %get3A_238 : vector<1x16xf32> to vector<1x16xf32>
        %mul3A_240 = arith.constant 64 : i32
        %mul3A_241 = arith.muli %add3A_220, %mul3A_240 : i32
        %add3A_242 = arith.constant 16 : i32
        %add3A_243 = arith.addi %mul3A_241, %add3A_242 : i32
        %swap3A_244 = arith.constant 0 : index
        %swap3A_245 = arith.index_cast %add3A_243 : i32 to index
        %swap3A_246 = tpu.vector_load %arg10[%swap3A_244, %swap3A_245] {strides = array<i32>} : memref<4x3200xf32, #tpu.memory_space<vmem>>, vector<1x16xf32>,
        %swap3A_247 = vector.shape_cast %swap3A_246 : vector<1x16xf32> to vector<1x16xf32>
        %swap3A_248 = vector.shape_cast %get3A_239 : vector<1x16xf32> to vector<1x16xf32>
        tpu.vector_store %arg10[%swap3A_244, %swap3A_245], %swap3A_248 {strides = array<i32>} : memref<4x3200xf32, #tpu.memory_space<vmem>>, vector<1x16xf32>,
        %add3A_249 = arith.constant 0 : i32
        %add3A_250 = arith.addi %add3A_249, %add3A_220 : i32
        %get3A_251 = arith.index_cast %add3A_250 : i32 to index
        %get3A_252 = arith.constant 32 : index
        %get3A_253 = tpu.vector_load %arg8[%get3A_251, %get3A_252] {strides = array<i32>} : memref<200x128xf32, #tpu.memory_space<vmem>>, vector<1x16xf32>,
        %get3A_254 = vector.shape_cast %get3A_253 : vector<1x16xf32> to vector<1x16xf32>
        %mul3A_255 = arith.constant 64 : i32
        %mul3A_256 = arith.muli %add3A_220, %mul3A_255 : i32
        %add3A_257 = arith.constant 32 : i32
        %add3A_258 = arith.addi %mul3A_256, %add3A_257 : i32
        %swap3A_259 = arith.constant 0 : index
        %swap3A_260 = arith.index_cast %add3A_258 : i32 to index
        %swap3A_261 = tpu.vector_load %arg10[%swap3A_259, %swap3A_260] {strides = array<i32>} : memref<4x3200xf32, #tpu.memory_space<vmem>>, vector<1x16xf32>,
        %swap3A_262 = vector.shape_cast %swap3A_261 : vector<1x16xf32> to vector<1x16xf32>
        %swap3A_263 = vector.shape_cast %get3A_254 : vector<1x16xf32> to vector<1x16xf32>
        tpu.vector_store %arg10[%swap3A_259, %swap3A_260], %swap3A_263 {strides = array<i32>} : memref<4x3200xf32, #tpu.memory_space<vmem>>, vector<1x16xf32>,
        %add3A_264 = arith.constant 0 : i32
        %add3A_265 = arith.addi %add3A_264, %add3A_220 : i32
        %get3A_266 = arith.index_cast %add3A_265 : i32 to index
        %get3A_267 = arith.constant 48 : index
        %get3A_268 = tpu.vector_load %arg8[%get3A_266, %get3A_267] {strides = array<i32>} : memref<200x128xf32, #tpu.memory_space<vmem>>, vector<1x16xf32>,
        %get3A_269 = vector.shape_cast %get3A_268 : vector<1x16xf32> to vector<1x16xf32>
        %mul3A_270 = arith.constant 64 : i32
        %mul3A_271 = arith.muli %add3A_220, %mul3A_270 : i32
        %add3A_272 = arith.constant 48 : i32
        %add3A_273 = arith.addi %mul3A_271, %add3A_272 : i32
        %swap3A_274 = arith.constant 0 : index
        %swap3A_275 = arith.index_cast %add3A_273 : i32 to index
        %swap3A_276 = tpu.vector_load %arg10[%swap3A_274, %swap3A_275] {strides = array<i32>} : memref<4x3200xf32, #tpu.memory_space<vmem>>, vector<1x16xf32>,
        %swap3A_277 = vector.shape_cast %swap3A_276 : vector<1x16xf32> to vector<1x16xf32>
        %swap3A_278 = vector.shape_cast %get3A_269 : vector<1x16xf32> to vector<1x16xf32>
        tpu.vector_store %arg10[%swap3A_274, %swap3A_275], %swap3A_278 {strides = array<i32>} : memref<4x3200xf32, #tpu.memory_space<vmem>>, vector<1x16xf32>,
      }
      %scan3A_193 = arith.constant 50 : i32
      %scan3A_194 = arith.constant 0 : i32
      %scan3A_195 = arith.constant 50 : i32
      %scan3A_196 = arith.addi %scan3A_194, %scan3A_195 : i32
      %scan3A_197 = arith.constant 1 : i32
      scf.for %scan3A_216 = %scan3A_194 to %scan3A_196 step %scan3A_197  : i32 {
        %mul3A_217 = arith.constant 1 : i32
        %mul3A_218 = arith.muli %scan3A_216, %mul3A_217 : i32
        %add3A_219 = arith.constant 0 : i32
        %add3A_220 = arith.addi %add3A_219, %mul3A_218 : i32
        %add3A_221 = arith.constant 50 : i32
        %add3A_222 = arith.addi %add3A_221, %add3A_220 : i32
        %get3A = arith.index_cast %add3A_222 : i32 to index
        %get3A_223 = arith.constant 0 : index
        %get3A_224 = tpu.vector_load %arg8[%get3A, %get3A_223] {strides = array<i32>} : memref<200x128xf32, #tpu.memory_space<vmem>>, vector<1x16xf32>,
        %get3A_225 = vector.shape_cast %get3A_224 : vector<1x16xf32> to vector<1x16xf32>
        %mul3A_226 = arith.constant 64 : i32
        %mul3A_227 = arith.muli %add3A_220, %mul3A_226 : i32
        %add3A_228 = arith.constant 0 : i32
        %add3A_229 = arith.addi %mul3A_227, %add3A_228 : i32
        %swap3A = arith.constant 1 : index
        %swap3A_230 = arith.index_cast %add3A_229 : i32 to index
        %swap3A_231 = tpu.vector_load %arg10[%swap3A, %swap3A_230] {strides = array<i32>} : memref<4x3200xf32, #tpu.memory_space<vmem>>, vector<1x16xf32>,
        %swap3A_232 = vector.shape_cast %swap3A_231 : vector<1x16xf32> to vector<1x16xf32>
        %swap3A_233 = vector.shape_cast %get3A_225 : vector<1x16xf32> to vector<1x16xf32>
        tpu.vector_store %arg10[%swap3A, %swap3A_230], %swap3A_233 {strides = array<i32>} : memref<4x3200xf32, #tpu.memory_space<vmem>>, vector<1x16xf32>,
        %add3A_234 = arith.constant 50 : i32
        %add3A_235 = arith.addi %add3A_234, %add3A_220 : i32
        %get3A_236 = arith.index_cast %add3A_235 : i32 to index
        %get3A_237 = arith.constant 16 : index
        %get3A_238 = tpu.vector_load %arg8[%get3A_236, %get3A_237] {strides = array<i32>} : memref<200x128xf32, #tpu.memory_space<vmem>>, vector<1x16xf32>,
        %get3A_239 = vector.shape_cast %get3A_238 : vector<1x16xf32> to vector<1x16xf32>
        %mul3A_240 = arith.constant 64 : i32
        %mul3A_241 = arith.muli %add3A_220, %mul3A_240 : i32
        %add3A_242 = arith.constant 16 : i32
        %add3A_243 = arith.addi %mul3A_241, %add3A_242 : i32
        %swap3A_244 = arith.constant 1 : index
        %swap3A_245 = arith.index_cast %add3A_243 : i32 to index
        %swap3A_246 = tpu.vector_load %arg10[%swap3A_244, %swap3A_245] {strides = array<i32>} : memref<4x3200xf32, #tpu.memory_space<vmem>>, vector<1x16xf32>,
        %swap3A_247 = vector.shape_cast %swap3A_246 : vector<1x16xf32> to vector<1x16xf32>
        %swap3A_248 = vector.shape_cast %get3A_239 : vector<1x16xf32> to vector<1x16xf32>
        tpu.vector_store %arg10[%swap3A_244, %swap3A_245], %swap3A_248 {strides = array<i32>} : memref<4x3200xf32, #tpu.memory_space<vmem>>, vector<1x16xf32>,
        %add3A_249 = arith.constant 50 : i32
        %add3A_250 = arith.addi %add3A_249, %add3A_220 : i32
        %get3A_251 = arith.index_cast %add3A_250 : i32 to index
        %get3A_252 = arith.constant 32 : index
        %get3A_253 = tpu.vector_load %arg8[%get3A_251, %get3A_252] {strides = array<i32>} : memref<200x128xf32, #tpu.memory_space<vmem>>, vector<1x16xf32>,
        %get3A_254 = vector.shape_cast %get3A_253 : vector<1x16xf32> to vector<1x16xf32>
        %mul3A_255 = arith.constant 64 : i32
        %mul3A_256 = arith.muli %add3A_220, %mul3A_255 : i32
        %add3A_257 = arith.constant 32 : i32
        %add3A_258 = arith.addi %mul3A_256, %add3A_257 : i32
        %swap3A_259 = arith.constant 1 : index
        %swap3A_260 = arith.index_cast %add3A_258 : i32 to index
        %swap3A_261 = tpu.vector_load %arg10[%swap3A_259, %swap3A_260] {strides = array<i32>} : memref<4x3200xf32, #tpu.memory_space<vmem>>, vector<1x16xf32>,
        %swap3A_262 = vector.shape_cast %swap3A_261 : vector<1x16xf32> to vector<1x16xf32>
        %swap3A_263 = vector.shape_cast %get3A_254 : vector<1x16xf32> to vector<1x16xf32>
        tpu.vector_store %arg10[%swap3A_259, %swap3A_260], %swap3A_263 {strides = array<i32>} : memref<4x3200xf32, #tpu.memory_space<vmem>>, vector<1x16xf32>,
        %add3A_264 = arith.constant 50 : i32
        %add3A_265 = arith.addi %add3A_264, %add3A_220 : i32
        %get3A_266 = arith.index_cast %add3A_265 : i32 to index
        %get3A_267 = arith.constant 48 : index
        %get3A_268 = tpu.vector_load %arg8[%get3A_266, %get3A_267] {strides = array<i32>} : memref<200x128xf32, #tpu.memory_space<vmem>>, vector<1x16xf32>,
        %get3A_269 = vector.shape_cast %get3A_268 : vector<1x16xf32> to vector<1x16xf32>
        %mul3A_270 = arith.constant 64 : i32
        %mul3A_271 = arith.muli %add3A_220, %mul3A_270 : i32
        %add3A_272 = arith.constant 48 : i32
        %add3A_273 = arith.addi %mul3A_271, %add3A_272 : i32
        %swap3A_274 = arith.constant 1 : index
        %swap3A_275 = arith.index_cast %add3A_273 : i32 to index
        %swap3A_276 = tpu.vector_load %arg10[%swap3A_274, %swap3A_275] {strides = array<i32>} : memref<4x3200xf32, #tpu.memory_space<vmem>>, vector<1x16xf32>,
        %swap3A_277 = vector.shape_cast %swap3A_276 : vector<1x16xf32> to vector<1x16xf32>
        %swap3A_278 = vector.shape_cast %get3A_269 : vector<1x16xf32> to vector<1x16xf32>
        tpu.vector_store %arg10[%swap3A_274, %swap3A_275], %swap3A_278 {strides = array<i32>} : memref<4x3200xf32, #tpu.memory_space<vmem>>, vector<1x16xf32>,
      }
      %scan3A_198 = arith.constant 50 : i32
      %scan3A_199 = arith.constant 0 : i32
      %scan3A_200 = arith.constant 50 : i32
      %scan3A_201 = arith.addi %scan3A_199, %scan3A_200 : i32
      %scan3A_202 = arith.constant 1 : i32
      scf.for %scan3A_216 = %scan3A_199 to %scan3A_201 step %scan3A_202  : i32 {
        %mul3A_217 = arith.constant 1 : i32
        %mul3A_218 = arith.muli %scan3A_216, %mul3A_217 : i32
        %add3A_219 = arith.constant 0 : i32
        %add3A_220 = arith.addi %add3A_219, %mul3A_218 : i32
        %add3A_221 = arith.constant 100 : i32
        %add3A_222 = arith.addi %add3A_221, %add3A_220 : i32
        %get3A = arith.index_cast %add3A_222 : i32 to index
        %get3A_223 = arith.constant 0 : index
        %get3A_224 = tpu.vector_load %arg8[%get3A, %get3A_223] {strides = array<i32>} : memref<200x128xf32, #tpu.memory_space<vmem>>, vector<1x16xf32>,
        %get3A_225 = vector.shape_cast %get3A_224 : vector<1x16xf32> to vector<1x16xf32>
        %mul3A_226 = arith.constant 64 : i32
        %mul3A_227 = arith.muli %add3A_220, %mul3A_226 : i32
        %add3A_228 = arith.constant 0 : i32
        %add3A_229 = arith.addi %mul3A_227, %add3A_228 : i32
        %swap3A = arith.constant 2 : index
        %swap3A_230 = arith.index_cast %add3A_229 : i32 to index
        %swap3A_231 = tpu.vector_load %arg10[%swap3A, %swap3A_230] {strides = array<i32>} : memref<4x3200xf32, #tpu.memory_space<vmem>>, vector<1x16xf32>,
        %swap3A_232 = vector.shape_cast %swap3A_231 : vector<1x16xf32> to vector<1x16xf32>
        %swap3A_233 = vector.shape_cast %get3A_225 : vector<1x16xf32> to vector<1x16xf32>
        tpu.vector_store %arg10[%swap3A, %swap3A_230], %swap3A_233 {strides = array<i32>} : memref<4x3200xf32, #tpu.memory_space<vmem>>, vector<1x16xf32>,
        %add3A_234 = arith.constant 100 : i32
        %add3A_235 = arith.addi %add3A_234, %add3A_220 : i32
        %get3A_236 = arith.index_cast %add3A_235 : i32 to index
        %get3A_237 = arith.constant 16 : index
        %get3A_238 = tpu.vector_load %arg8[%get3A_236, %get3A_237] {strides = array<i32>} : memref<200x128xf32, #tpu.memory_space<vmem>>, vector<1x16xf32>,
        %get3A_239 = vector.shape_cast %get3A_238 : vector<1x16xf32> to vector<1x16xf32>
        %mul3A_240 = arith.constant 64 : i32
        %mul3A_241 = arith.muli %add3A_220, %mul3A_240 : i32
        %add3A_242 = arith.constant 16 : i32
        %add3A_243 = arith.addi %mul3A_241, %add3A_242 : i32
        %swap3A_244 = arith.constant 2 : index
        %swap3A_245 = arith.index_cast %add3A_243 : i32 to index
        %swap3A_246 = tpu.vector_load %arg10[%swap3A_244, %swap3A_245] {strides = array<i32>} : memref<4x3200xf32, #tpu.memory_space<vmem>>, vector<1x16xf32>,
        %swap3A_247 = vector.shape_cast %swap3A_246 : vector<1x16xf32> to vector<1x16xf32>
        %swap3A_248 = vector.shape_cast %get3A_239 : vector<1x16xf32> to vector<1x16xf32>
        tpu.vector_store %arg10[%swap3A_244, %swap3A_245], %swap3A_248 {strides = array<i32>} : memref<4x3200xf32, #tpu.memory_space<vmem>>, vector<1x16xf32>,
        %add3A_249 = arith.constant 100 : i32
        %add3A_250 = arith.addi %add3A_249, %add3A_220 : i32
        %get3A_251 = arith.index_cast %add3A_250 : i32 to index
        %get3A_252 = arith.constant 32 : index
        %get3A_253 = tpu.vector_load %arg8[%get3A_251, %get3A_252] {strides = array<i32>} : memref<200x128xf32, #tpu.memory_space<vmem>>, vector<1x16xf32>,
        %get3A_254 = vector.shape_cast %get3A_253 : vector<1x16xf32> to vector<1x16xf32>
        %mul3A_255 = arith.constant 64 : i32
        %mul3A_256 = arith.muli %add3A_220, %mul3A_255 : i32
        %add3A_257 = arith.constant 32 : i32
        %add3A_258 = arith.addi %mul3A_256, %add3A_257 : i32
        %swap3A_259 = arith.constant 2 : index
        %swap3A_260 = arith.index_cast %add3A_258 : i32 to index
        %swap3A_261 = tpu.vector_load %arg10[%swap3A_259, %swap3A_260] {strides = array<i32>} : memref<4x3200xf32, #tpu.memory_space<vmem>>, vector<1x16xf32>,
        %swap3A_262 = vector.shape_cast %swap3A_261 : vector<1x16xf32> to vector<1x16xf32>
        %swap3A_263 = vector.shape_cast %get3A_254 : vector<1x16xf32> to vector<1x16xf32>
        tpu.vector_store %arg10[%swap3A_259, %swap3A_260], %swap3A_263 {strides = array<i32>} : memref<4x3200xf32, #tpu.memory_space<vmem>>, vector<1x16xf32>,
        %add3A_264 = arith.constant 100 : i32
        %add3A_265 = arith.addi %add3A_264, %add3A_220 : i32
        %get3A_266 = arith.index_cast %add3A_265 : i32 to index
        %get3A_267 = arith.constant 48 : index
        %get3A_268 = tpu.vector_load %arg8[%get3A_266, %get3A_267] {strides = array<i32>} : memref<200x128xf32, #tpu.memory_space<vmem>>, vector<1x16xf32>,
        %get3A_269 = vector.shape_cast %get3A_268 : vector<1x16xf32> to vector<1x16xf32>
        %mul3A_270 = arith.constant 64 : i32
        %mul3A_271 = arith.muli %add3A_220, %mul3A_270 : i32
        %add3A_272 = arith.constant 48 : i32
        %add3A_273 = arith.addi %mul3A_271, %add3A_272 : i32
        %swap3A_274 = arith.constant 2 : index
        %swap3A_275 = arith.index_cast %add3A_273 : i32 to index
        %swap3A_276 = tpu.vector_load %arg10[%swap3A_274, %swap3A_275] {strides = array<i32>} : memref<4x3200xf32, #tpu.memory_space<vmem>>, vector<1x16xf32>,
        %swap3A_277 = vector.shape_cast %swap3A_276 : vector<1x16xf32> to vector<1x16xf32>
        %swap3A_278 = vector.shape_cast %get3A_269 : vector<1x16xf32> to vector<1x16xf32>
        tpu.vector_store %arg10[%swap3A_274, %swap3A_275], %swap3A_278 {strides = array<i32>} : memref<4x3200xf32, #tpu.memory_space<vmem>>, vector<1x16xf32>,
      }
      %scan3A_203 = arith.constant 50 : i32
      %scan3A_204 = arith.constant 0 : i32
      %scan3A_205 = arith.constant 50 : i32
      %scan3A_206 = arith.addi %scan3A_204, %scan3A_205 : i32
      %scan3A_207 = arith.constant 1 : i32
      scf.for %scan3A_216 = %scan3A_204 to %scan3A_206 step %scan3A_207  : i32 {
        %mul3A_217 = arith.constant 1 : i32
        %mul3A_218 = arith.muli %scan3A_216, %mul3A_217 : i32
        %add3A_219 = arith.constant 0 : i32
        %add3A_220 = arith.addi %add3A_219, %mul3A_218 : i32
        %add3A_221 = arith.constant 150 : i32
        %add3A_222 = arith.addi %add3A_221, %add3A_220 : i32
        %get3A = arith.index_cast %add3A_222 : i32 to index
        %get3A_223 = arith.constant 0 : index
        %get3A_224 = tpu.vector_load %arg8[%get3A, %get3A_223] {strides = array<i32>} : memref<200x128xf32, #tpu.memory_space<vmem>>, vector<1x16xf32>,
        %get3A_225 = vector.shape_cast %get3A_224 : vector<1x16xf32> to vector<1x16xf32>
        %mul3A_226 = arith.constant 64 : i32
        %mul3A_227 = arith.muli %add3A_220, %mul3A_226 : i32
        %add3A_228 = arith.constant 0 : i32
        %add3A_229 = arith.addi %mul3A_227, %add3A_228 : i32
        %swap3A = arith.constant 3 : index
        %swap3A_230 = arith.index_cast %add3A_229 : i32 to index
        %swap3A_231 = tpu.vector_load %arg10[%swap3A, %swap3A_230] {strides = array<i32>} : memref<4x3200xf32, #tpu.memory_space<vmem>>, vector<1x16xf32>,
        %swap3A_232 = vector.shape_cast %swap3A_231 : vector<1x16xf32> to vector<1x16xf32>
        %swap3A_233 = vector.shape_cast %get3A_225 : vector<1x16xf32> to vector<1x16xf32>
        tpu.vector_store %arg10[%swap3A, %swap3A_230], %swap3A_233 {strides = array<i32>} : memref<4x3200xf32, #tpu.memory_space<vmem>>, vector<1x16xf32>,
        %add3A_234 = arith.constant 150 : i32
        %add3A_235 = arith.addi %add3A_234, %add3A_220 : i32
        %get3A_236 = arith.index_cast %add3A_235 : i32 to index
        %get3A_237 = arith.constant 16 : index
        %get3A_238 = tpu.vector_load %arg8[%get3A_236, %get3A_237] {strides = array<i32>} : memref<200x128xf32, #tpu.memory_space<vmem>>, vector<1x16xf32>,
        %get3A_239 = vector.shape_cast %get3A_238 : vector<1x16xf32> to vector<1x16xf32>
        %mul3A_240 = arith.constant 64 : i32
        %mul3A_241 = arith.muli %add3A_220, %mul3A_240 : i32
        %add3A_242 = arith.constant 16 : i32
        %add3A_243 = arith.addi %mul3A_241, %add3A_242 : i32
        %swap3A_244 = arith.constant 3 : index
        %swap3A_245 = arith.index_cast %add3A_243 : i32 to index
        %swap3A_246 = tpu.vector_load %arg10[%swap3A_244, %swap3A_245] {strides = array<i32>} : memref<4x3200xf32, #tpu.memory_space<vmem>>, vector<1x16xf32>,
        %swap3A_247 = vector.shape_cast %swap3A_246 : vector<1x16xf32> to vector<1x16xf32>
        %swap3A_248 = vector.shape_cast %get3A_239 : vector<1x16xf32> to vector<1x16xf32>
        tpu.vector_store %arg10[%swap3A_244, %swap3A_245], %swap3A_248 {strides = array<i32>} : memref<4x3200xf32, #tpu.memory_space<vmem>>, vector<1x16xf32>,
        %add3A_249 = arith.constant 150 : i32
        %add3A_250 = arith.addi %add3A_249, %add3A_220 : i32
        %get3A_251 = arith.index_cast %add3A_250 : i32 to index
        %get3A_252 = arith.constant 32 : index
        %get3A_253 = tpu.vector_load %arg8[%get3A_251, %get3A_252] {strides = array<i32>} : memref<200x128xf32, #tpu.memory_space<vmem>>, vector<1x16xf32>,
        %get3A_254 = vector.shape_cast %get3A_253 : vector<1x16xf32> to vector<1x16xf32>
        %mul3A_255 = arith.constant 64 : i32
        %mul3A_256 = arith.muli %add3A_220, %mul3A_255 : i32
        %add3A_257 = arith.constant 32 : i32
        %add3A_258 = arith.addi %mul3A_256, %add3A_257 : i32
        %swap3A_259 = arith.constant 3 : index
        %swap3A_260 = arith.index_cast %add3A_258 : i32 to index
        %swap3A_261 = tpu.vector_load %arg10[%swap3A_259, %swap3A_260] {strides = array<i32>} : memref<4x3200xf32, #tpu.memory_space<vmem>>, vector<1x16xf32>,
        %swap3A_262 = vector.shape_cast %swap3A_261 : vector<1x16xf32> to vector<1x16xf32>
        %swap3A_263 = vector.shape_cast %get3A_254 : vector<1x16xf32> to vector<1x16xf32>
        tpu.vector_store %arg10[%swap3A_259, %swap3A_260], %swap3A_263 {strides = array<i32>} : memref<4x3200xf32, #tpu.memory_space<vmem>>, vector<1x16xf32>,
        %add3A_264 = arith.constant 150 : i32
        %add3A_265 = arith.addi %add3A_264, %add3A_220 : i32
        %get3A_266 = arith.index_cast %add3A_265 : i32 to index
        %get3A_267 = arith.constant 48 : index
        %get3A_268 = tpu.vector_load %arg8[%get3A_266, %get3A_267] {strides = array<i32>} : memref<200x128xf32, #tpu.memory_space<vmem>>, vector<1x16xf32>,
        %get3A_269 = vector.shape_cast %get3A_268 : vector<1x16xf32> to vector<1x16xf32>
        %mul3A_270 = arith.constant 64 : i32
        %mul3A_271 = arith.muli %add3A_220, %mul3A_270 : i32
        %add3A_272 = arith.constant 48 : i32
        %add3A_273 = arith.addi %mul3A_271, %add3A_272 : i32
        %swap3A_274 = arith.constant 3 : index
        %swap3A_275 = arith.index_cast %add3A_273 : i32 to index
        %swap3A_276 = tpu.vector_load %arg10[%swap3A_274, %swap3A_275] {strides = array<i32>} : memref<4x3200xf32, #tpu.memory_space<vmem>>, vector<1x16xf32>,
        %swap3A_277 = vector.shape_cast %swap3A_276 : vector<1x16xf32> to vector<1x16xf32>
        %swap3A_278 = vector.shape_cast %get3A_269 : vector<1x16xf32> to vector<1x16xf32>
        tpu.vector_store %arg10[%swap3A_274, %swap3A_275], %swap3A_278 {strides = array<i32>} : memref<4x3200xf32, #tpu.memory_space<vmem>>, vector<1x16xf32>,
      }
      %scan3A_208 = arith.constant 50 : i32
      %mul3A_209 = arith.constant 4 : i32
      %mul3A_210 = arith.muli %add3A_136, %mul3A_209 : i32
      %add3A_211 = arith.addi %mul3A_2, %mul3A_210 : i32
      %dma_start3A_212 = arith.constant 0 : i32
      %dma_start3A_213 = tpu.memref_slice %arg4[%add3A_211, %dma_start3A_212] : memref<16384x3200xf32, #tpu.memory_space<hbm>> -> memref<4x3200xf32, #tpu.memory_space<hbm>>
      %dma_start3A_214 = arith.constant 0 : i32
      %dma_start3A_215 = tpu.memref_slice %arg4[%add3A_211, %dma_start3A_214] : memref<16384x3200xf32, #tpu.memory_space<hbm>> -> memref<4x3200xf32, #tpu.memory_space<hbm>>
      tpu.enqueue_dma source(%arg10 : memref<4x3200xf32, #tpu.memory_space<vmem>>) target(%dma_start3A_215 : memref<4x3200xf32, #tpu.memory_space<hbm>>) target_semaphore(%arg14 : memref<!tpu.dma_semaphore, #tpu.memory_space<semaphore_mem>>)
    }
    %scan3A_47 = arith.constant 64 : i32
    %dma_wait3A = arith.constant 0 : i32
    %dma_wait3A_48 = tpu.memref_slice %arg4[%mul3A_2, %dma_wait3A] : memref<16384x3200xf32, #tpu.memory_space<hbm>> -> memref<4x3200xf32, #tpu.memory_space<hbm>>
    %dma_wait3A_49 = arith.constant 0 : i32
    %dma_wait3A_50 = tpu.memref_slice %arg4[%mul3A_2, %dma_wait3A_49] : memref<16384x3200xf32, #tpu.memory_space<hbm>> -> memref<4x3200xf32, #tpu.memory_space<hbm>>
    tpu.wait_dma2 semaphore(%arg13 : memref<!tpu.dma_semaphore, #tpu.memory_space<semaphore_mem>>) src(%arg9 : memref<4x3200xf32, #tpu.memory_space<vmem>>) dst(%dma_wait3A_50 : memref<4x3200xf32, #tpu.memory_space<hbm>>)
    %dma_wait3A_51 = arith.constant 0 : i32
    %dma_wait3A_52 = tpu.memref_slice %arg4[%mul3A_2, %dma_wait3A_51] : memref<16384x3200xf32, #tpu.memory_space<hbm>> -> memref<4x3200xf32, #tpu.memory_space<hbm>>
    %dma_wait3A_53 = arith.constant 0 : i32
    %dma_wait3A_54 = tpu.memref_slice %arg4[%mul3A_2, %dma_wait3A_53] : memref<16384x3200xf32, #tpu.memory_space<hbm>> -> memref<4x3200xf32, #tpu.memory_space<hbm>>
    tpu.wait_dma2 semaphore(%arg14 : memref<!tpu.dma_semaphore, #tpu.memory_space<semaphore_mem>>) src(%arg10 : memref<4x3200xf32, #tpu.memory_space<vmem>>) dst(%dma_wait3A_54 : memref<4x3200xf32, #tpu.memory_space<hbm>>)
    return
  }
}

</mosaic_0001>

<sc_bundles>
// kernel: kernel.3.cloned.1.call-start
scs
__scs_entry_jumppad:
0x0: {  	(pc) =	sbr.rel $0x88, $3  }
0x1: {  	(tag) =	ssettag $0x0;
	lr =	simm.s32 $0x1  }
0x2: {  	[smem:$0x3F9F] =	sst lr;
	_ =	strace $0xD0000000  }
0x3: {  	_ = 	snop  }
0x4: {  	_ = 	snop  }
0x5: {  	_ = 	snop  }
0x6: {  	_ = 	snop  }
0x7: {  	_ = 	snop  }
__scs_overlays_trampoline_lowered:
0x8: {  	[smem:$0x3FAE] =	sst s0  }
0x9: {  	[smem:$0x3FAF] =	sst s1  }
0xa: {  	[smem:$0x3FB0] =	sst s2  }
0xb: {  	[smem:$0x3FB1] =	sst s3  }
0xc: {  	[smem:$0x3FB2] =	sst s4  }
0xd: {  	[smem:$0x3FB3] =	sst s5  }
0xe: {  	[smem:$0x3FB4] =	sst s6  }
0xf: {  	[smem:$0x3FB5] =	sst s7  }
0x10: {  	[smem:$0x3FB6] =	sst s8  }
0x11: {  	[smem:$0x3FB7] =	sst s9;
	s0 =	simm.s32 @!p0 $0x0  }
0x12: {  	s1 =	sld [smem:$0x3F9D];
	s0 =	simm.s32 @p0 $0x1  }
0x13: {  	[smem:$0x3FB8] =	sst s0;
	s0 =	simm.s32 @!p1 $0x0  }
0x14: {  	s2 =	sld [smem:$0x3F9C];
	s0 =	simm.s32 @p1 $0x1  }
0x15: {  	[smem:$0x3FB9] =	sst s0;
	s0 =	simm.s32 @!p2 $0x0  }
0x16: {  	s3 =	sld [smem:$0x3FDB];
	s0 =	simm.s32 @p2 $0x1  }
0x17: {  	s4 =	simm.s32 $0x1BF5;
	[smem:$0x3FBB] =	sst s0  }
0x18: {  	s0 =	sld [smem:$0x3F9E];
	_ =	swait.ge [sflag:s4], $0x0  }
0x19: {  	s7 =	sld [smem:$0x3F9F]  }
0x1a: {  	s8 =	sadd.s32 $0xFFFFE003, lr  }
0x1b: {  	s9 =	sadd.s32 $0xFFFFFEF7, lr;
	s5 =	simm.s32 $0xFFFFFFFF;
	p2 =	slt.u32 s8, $0xFFFFF086  }
0x1c: {  	p1 =	slt.u32 s9, $0xF7A;
	s5 =	simm.s32 @!p2 $0x0  }
0x1d: {  	s5 =	simm.s32 @p1 $0x1;
	p0 =	seq.s32 s7, s2  }
0x1e: {  	s7 =	smul.u32 @!p0 $0xF7A, s2;
	p2 =	seq.s32 @!p0 s5, $0x0  }
0x1f: {  	s9 =	smul.u32 $0xF7A, s1;
	s8 =	simm.s32 @!p0 $0x1BF5;
	p2 =	por !p2, p0  }
0x20: {  	[sflag:s8] =	ssyncset.s32 @!p0 $0xFFFFF086;
	s6 =	sadd.s32 @!p0 s3, s7;
	s7 =	simm.s32 @!p0 $0x108  }
0x21: {  	s3 =	sadd.s32 s3, s9;
	s6 =	sadd.s32 @!p0 $0x88, s6;
	s7 =	simm.s32 @p2 $0x1082  }
0x22: {  	[simem:s7], [sflag:s8] =	dma.local @!p0 [hbm:s6], $0xF7A  }
0x23: {  	s9 =	sor.u32 $0xD0000000, s2;
	s6 =	simm.s32 $0x108;
	_ =	swait.ge @!p0 [sflag:s8], $0x0  }
0x24: {  	s3 =	sadd.s32 $0x88, s3;
	s6 =	simm.s32 @!p1 $0x1082;
	[sflag:s4] =	ssyncset.s32 $0xFFFFF086  }
0x25: {  	[simem:s6], [sflag:s4] =	dma.local [hbm:s3], $0xF7A  }
0x26: {  	[smem:$0x3F9F] =	sst s1;
	(tag) =	ssettag s2;
	_ =	strace s9  }
0x27: {  	s1 =	sld [smem:$0x3FAF]  }
0x28: {  	s2 =	sld [smem:$0x3FB0]  }
0x29: {  	s4 =	sld [smem:$0x3FB2]  }
0x2a: {  	p0 =	seq.s32 s5, $0x0;
	s5 =	sld [smem:$0x3FB3]  }
0x2b: {  	s6 =	sld [smem:$0x3FB4]  }
0x2c: {  	s7 =	sld [smem:$0x3FB5]  }
0x2d: {  	s3 =	simm.s32 $0x108;
	s8 =	sld [smem:$0x3FB6]  }
0x2e: {  	s3 =	simm.s32 @!p0 $0x1082;
	s9 =	sld [smem:$0x3FB7]  }
0x2f: {  	lr =	sadd.s32 s0, s3;
	s0 =	sld [smem:$0x3FAE]  }
0x30: {  	s3 =	sld [smem:$0x3FB1]  }
0x31: {  	[smem:$0x3FBA] =	sst s10  }
0x32: {  	s10 =	sld [smem:$0x3FB8];
	_ =	sdelay $0x3  }
0x33: {  	p0 =	seq.s32 s10, $0x1;
	s10 =	sld [smem:$0x3FBA];
	_ =	sdelay $0x3  }
0x34: {  	[smem:$0x3FBA] =	sst s10  }
0x35: {  	s10 =	sld [smem:$0x3FB9];
	_ =	sdelay $0x3  }
0x36: {  	p1 =	seq.s32 s10, $0x1;
	s10 =	sld [smem:$0x3FBA];
	_ =	sdelay $0x3  }
0x37: {  	[smem:$0x3FBA] =	sst s10  }
0x38: {  	s10 =	sld [smem:$0x3FBB]  }
0x39: {  	_ = 	snop;
	(pc) =	sbr.ind lr, $3  }
0x3a: {  	_ = 	snop  }
0x3b: {  	_ = 	snop  }
0x3c: {  	p2 =	seq.s32 s10, $0x1;
	s10 =	sld [smem:$0x3FBA]  }
0x3d: {  	_ =	shalt  }
0x3e: {  	_ =	shalt  }
0x3f: {  	_ =	shalt  }
0x40: {  	_ =	shalt  }
0x41: {  	_ =	shalt  }
0x42: {  	_ =	shalt  }
0x43: {  	_ =	shalt  }
0x44: {  	_ =	shalt  }
0x45: {  	_ =	shalt  }
0x46: {  	_ =	shalt  }
0x47: {  	_ =	shalt  }
0x48: {  	_ =	shalt  }
0x49: {  	_ =	shalt  }
0x4a: {  	_ =	shalt  }
0x4b: {  	_ =	shalt  }
0x4c: {  	_ =	shalt  }
0x4d: {  	_ =	shalt  }
0x4e: {  	_ =	shalt  }
0x4f: {  	_ =	shalt  }
0x50: {  	_ =	shalt  }
0x51: {  	_ =	shalt  }
0x52: {  	_ =	shalt  }
0x53: {  	_ =	shalt  }
0x54: {  	_ =	shalt  }
0x55: {  	_ =	shalt  }
0x56: {  	_ =	shalt  }
0x57: {  	_ =	shalt  }
0x58: {  	_ =	shalt  }
0x59: {  	_ =	shalt  }
0x5a: {  	_ =	shalt  }
0x5b: {  	_ =	shalt  }
0x5c: {  	_ =	shalt  }
0x5d: {  	_ =	shalt  }
0x5e: {  	_ =	shalt  }
0x5f: {  	_ =	shalt  }
0x60: {  	_ =	shalt  }
0x61: {  	_ =	shalt  }
0x62: {  	_ =	shalt  }
0x63: {  	_ =	shalt  }
0x64: {  	_ =	shalt  }
0x65: {  	_ =	shalt  }
0x66: {  	_ =	shalt  }
0x67: {  	_ =	shalt  }
0x68: {  	_ =	shalt  }
0x69: {  	_ =	shalt  }
0x6a: {  	_ =	shalt  }
0x6b: {  	_ =	shalt  }
0x6c: {  	_ =	shalt  }
0x6d: {  	_ =	shalt  }
0x6e: {  	_ =	shalt  }
0x6f: {  	_ =	shalt  }
0x70: {  	_ =	shalt  }
0x71: {  	_ =	shalt  }
0x72: {  	_ =	shalt  }
0x73: {  	_ =	shalt  }
0x74: {  	_ =	shalt  }
0x75: {  	_ =	shalt  }
0x76: {  	_ =	shalt  }
0x77: {  	_ =	shalt  }
0x78: {  	_ =	shalt  }
0x79: {  	_ =	shalt  }
0x7a: {  	_ =	shalt  }
0x7b: {  	_ =	shalt  }
0x7c: {  	_ =	shalt  }
0x7d: {  	_ =	shalt  }
0x7e: {  	_ =	shalt  }
0x7f: {  	_ =	shalt  }
0x80: {  	_ =	shalt  }
0x81: {  	_ =	shalt  }
0x82: {  	_ =	shalt  }
0x83: {  	_ =	shalt  }
0x84: {  	_ =	shalt  }
0x85: {  	_ =	shalt  }
0x86: {  	_ =	shalt  }
0x87: {  	_ =	shalt  }
.Lfunc_end0:
.L_simem_size_0:
called_computation_lowered:
.L_overlay_start_0:
0x88: {  	s2 =	sld [smem:$0x3FD9]  }
0x89: {  	s3 =	sld [smem:$0x3FFE];
	_ =	sdelay $0x1  }
0x8a: {  	s1 =	srdreg.scid  }
0x8b: {  	s0 =	sand.u32 $0x1, s1  }
0x8c: {  	s17 =	sshll.u32 s0, $0xA;
	s2 =	sadd.s32 s3, s2  }
0x8d: {  	s2 =	sadd.s32 s2, s17  }
0x8e: {  	[smem:$0x3FC6] =	sst s2  }
0x8f: {  	_ = 	snop  }
0x90: {  	s2 =	sld [smem:$0x3FD0];
	(tm) =	ssettm $0x1  }
0x91: {  	s18 =	sld [smem:$0x3FFB];
	_ =	sdelay $0x3  }
0x92: {  	_ =	strace s18  }
0x93: {  	s3 =	sld [smem:$0x3FFC];
	_ =	sdelay $0x3  }
0x94: {  	_ =	strace s3  }
0x95: {  	s3 =	sld [smem:$0x3FFD];
	_ =	sdelay $0x3  }
0x96: {  	_ =	strace s3  }
0x97: {  	_ =	strace $0x8FFFFFFF  }
0x98: {  	s19 =	sld [smem:$0x3FDB];
	_ =	sdelay $0x1  }
0x99: {  	s4 =	simm.s32 $_scs_section_size  }
0x9a: {  	s5 =	simm.s32 $_size__tile_overlayer_lowered;
	s6 =	simm.s32 $_tile_overlayer_lowered  }
0x9b: {  	s22 =	simm.s32 $0x1BFF;
	s21 =	sshll.u32 s6, $0x1;
	s3 =	sadd.s32 s4, s19  }
0x9c: {  	s7 =	simm.s32 $0x0;
	s20 =	sshll.u32 s5, $0x1;
	s5 =	sadd.s32 s21, s3  }
0x9d: {  	[timem:s7], [sflag:s22] =	dma.local [hbm:s5], s20  }
0x9e: {  	_ =	swait.ge [sflag:s22], s20  }
0x9f: {  	s4 =	ssub.s32 $0x0, s20;
	[sflag:s22] =	ssyncset.done $0x0  }
0xa0: {  	[sflag:s22] =	ssyncadd.s32 s4;
	_ =	sdelay $0x1  }
0xa1: {  	s23 =	simm.s32 $0x1B8B  }
0xa2: {  	_ =	swait.ge [sflag:s23], $0x1  }
0xa3: {  	[sflag:s23] =	ssyncset.done $0x0  }
0xa4: {  	s25 =	simm.s32 $0x1B8E;
	s24 =	sld [smem:$0x3FFE];
	[sflag:s23] =	ssyncadd.s32 $0xFFFFFFFF  }
0xa5: {  	s26 =	simm.s32 $execute0_lowered;
	[smem:$0x3FD2] =	sst s25  }
0xa6: {  	s5 =	sshll.u32 s26, $0x1;
	_ =	strace $0x80000046;
	[dreg:$0x1] =	wrdreg $0xFFFFFFFF  }
0xa7: {  	s28 =	simm.s32 $_size_execute0_lowered;
	s3 =	sadd.s32 s3, s5;
	[dreg:$0x0] =	wrdreg $0x0  }
0xa8: {  	s5 =	sshll.u32 s28, $0x1;
	[dreg:$0x2] =	wrdreg s3  }
0xa9: {  	[dreg:$0x3] =	wrdreg s5  }
0xaa: {  	[dreg:$0x4] =	wrdreg $0xC0  }
0xab: {  	_ =	task [dreg:s7], $0x5FFFF  }
0xac: {  	[dreg:$0x1] =	wrdreg $0xFFFFFFFF  }
0xad: {  	[dreg:$0x0] =	wrdreg $0x60  }
0xae: {  	[dreg:$0x2] =	wrdreg s24  }
0xaf: {  	[dreg:$0x3] =	wrdreg s2  }
0xb0: {  	[dreg:$0x4] =	wrdreg $0x9  }
0xb1: {  	_ =	task.clear_ibuf [dreg:s7], $0x5FFFF;
	_ =	strace $0x90000046  }
0xb2: {  	s29 =	simm.s32 $0x9;
	_ =	strace $0x80000048  }
0xb3: {  	_ =	swait.ge [sflag:s29], $0x1  }
0xb4: {  	[sflag:s29] =	ssyncadd.s32 $0xFFFFFFFF  }
0xb5: {  	_ =	strace $0x90000048  }
0xb6: {  	_ =	sfence  }
0xb7: {  	s30 =	sld [smem:$0x0];
	_ =	sdelay $0x2  }
0xb8: {  	s31 =	sshll.u32 s1, $0xD;
	s1 =	sshrl.u32 s1, $0x2  }
0xb9: {  	s3 =	sand.u32 $0x4000, s31;
	s1 =	sadd.s32 s1, s30  }
0xba: {  	s0 =	sor.u32 s3, s0;
	s1 =	sshll.u32 s1, $0x11  }
0xbb: {  	s0 =	sor.u32 s1, s0  }
0xbc: {  	s0 =	sadd.s32 $0x8F2B, s0  }
0xbd: {  	[sflag:s0] =	ssyncadd.remote.s32 $0x1  }
0xbe: {  	_ =	sfence.sel $0xFFFF  }
0xbf: {  	[dreg:$0x0] =	wrdreg $0xFFFFFFFF;
	(pc) =	sbr.abs _section_cstart, $3  }
0xc0: {  	[dreg:$0x1] =	wrdreg $0xFFFFFFFF  }
0xc1: {  	_ =	task.clear_ibuf [dreg:s7], $0x2FFFF;
	_ =	strace $0x9FFFFFFF  }
0xc2: {  	(tm) =	ssettm $0x7FFFFFFF  }
0xc3: {  	_ =	shalt  }
tec
execute0_lowered:
.L_overlay_start_1:
0x0: {  	(tag) =	ssettag $0x1  }
0x1: {  	s0 =	rddreg [dreg:$0x0]  }
0x2: {  	s1 =	rddreg [dreg:$0x1]  }
0x3: {  	s2 =	simm.s32 $0x0;
	s3 =	srdreg.scid;
	s4 =	stileid.u32  }
0x4: {  	s12 =	simm.s32 $0x5;
	s13 =	simm.s32 $0x32;
	s14 =	simm.s32 $0x400  }
0x5: {  	s21 =	simm.s32 $0x1;
	s22 =	simm.s32 $0x200;
	s28 =	simm.s32 $0x9A00  }
0x6: {  	s29 =	simm.s32 $0x380;
	s30 =	simm.s32 $0xB300;
	s31 =	simm.s32 $0xCC00  }
0x7: {  	s16 =	simm.s32 $0x4;
	[smem:$0x7FF] =	sst s2;
	s3 =	sand.u32 $0x1, s3  }
0x8: {  	s4 =	sshll.u32 s4, $0xA;
	s10 =	sadd.s32 $0x840, s0;
	_ =	strace $0x80000047  }
0x9: {  	s5 =	ssub.s32 $0x2, s3;
	s6 =	sshll.u32 s3, $0x9;
	s3 =	sadd.s32 $0xF42C00, s0  }
0xa: {  	s7 =	sshrl.u32 s5, $0x1;
	s6 =	sor.u32 s6, s4;
	s4 =	sadd.s32 $0x800, s0  }
0xb: {  	s0 =	simm.s32 $0x2;
	s11 =	ssub.s32 s5, s7;
	s5 =	sshll.u32 s6, $0x4  }
0xc: {  	s7 =	sadd.s32 $0x40, s1;
	s8 =	sshrl.u32 s6, $0x3;
	s9 =	sadd.s32 s1, s5  }
0xd: {  	s26 =	smax.u32 s11, $0x1;
	s1 =	simm.s32 $0xFE00;
	[dreg:$0x3] =	wrdreg s9  }
0xe: {  	s11 =	simm.s32 $0x0;
	s9 =	sadd.s32 $0x80, s9;
	[dreg:$0x4] =	wrdreg s26  }
.LBB2_1:
0xf: {  	[dreg:$0x5] =	wrdreg s11  }
0x10: {  	s6 =	rddreg [dreg:$0x3]  }
0x11: {  	[tilespmem:s2], [sflag:$0x5] =	stream.linear.gather [hbm4b:s6+s2], $0x200, $0x38;
	[tilespmem:$0x13000] =	vst v63  }
0x12: {  	_ =	swait.ge [sflag:s12], $0x200  }
0x13: {  	[sflag:s12] =	ssyncset.done $0x0  }
0x14: {  	[sflag:s12] =	ssyncadd.s32 $0xFFFFFE00  }
0x15: {  	[tilespmem:s14], [sflag:$0x1] =	stream.indirect.gather [hbm4b:s3+s13], $0x80, s2, s13, $0xb8;
	[tilespmem:$0x13000] =	vst v63  }
0x16: {  	s19 =	simm.s32 $0x80;
	s20 =	simm.s32 $0x1D00  }
0x17: {  	[tilespmem:s20], [sflag:$0x1] =	stream.indirect.gather [hbm4b:s3+s13], $0x80, s19, s13, $0xb8;
	[tilespmem:$0x13000] =	vst v63  }
0x18: {  	s23 =	simm.s32 $0x100;
	s24 =	simm.s32 $0x3600  }
0x19: {  	[tilespmem:s24], [sflag:$0x1] =	stream.indirect.gather [hbm4b:s3+s13], $0x80, s23, s13, $0xb8;
	[tilespmem:$0x13000] =	vst v63  }
0x1a: {  	s25 =	simm.s32 $0x180;
	s26 =	simm.s32 $0x4F00;
	s18 =	simm.s32 $0x0  }
0x1b: {  	[tilespmem:s26], [sflag:$0x1] =	stream.indirect.gather [hbm4b:s3+s13], $0x80, s25, s13, $0xb8;
	[tilespmem:$0x13000] =	vst v63  }
.LBB2_2:
0x1c: {  	_ =	swait.ge [sflag:s21], $0x1900  }
0x1d: {  	[sflag:s21] =	ssyncset.done $0x0  }
0x1e: {  	[sflag:s21] =	ssyncadd.s32 $0xFFFFE700  }
0x1f: {  	_ =	swait.ge [sflag:s21], $0x1900  }
0x20: {  	[sflag:s21] =	ssyncset.done $0x0  }
0x21: {  	[sflag:s21] =	ssyncadd.s32 $0xFFFFE700  }
0x22: {  	_ =	swait.ge [sflag:s21], $0x1900  }
0x23: {  	[sflag:s21] =	ssyncset.done $0x0  }
0x24: {  	[sflag:s21] =	ssyncadd.s32 $0xFFFFE700  }
0x25: {  	s20 =	sshll.u32 s18, $0x7;
	_ =	swait.ge [sflag:s21], $0x1900  }
0x26: {  	s6 =	sor.u32 s20, s5;
	[sflag:s21] =	ssyncset.done $0x0  }
0x27: {  	s6 =	sadd.s32 s6, s7;
	[sflag:s21] =	ssyncadd.s32 $0xFFFFE700  }
0x28: {  	[tilespmem:s22], [sflag:$0x5] =	stream.linear.gather [hbm4b:s6+s2], $0x200, $0x38;
	[tilespmem:$0x13000] =	vst v63  }
0x29: {  	_ =	swait.ge [sflag:s12], $0x200  }
0x2a: {  	[sflag:s12] =	ssyncset.done $0x0  }
0x2b: {  	s19 =	simm.s32 $0x6800;
	[sflag:s12] =	ssyncadd.s32 $0xFFFFFE00  }
0x2c: {  	[tilespmem:s19], [sflag:$0x2] =	stream.indirect.gather [hbm4b:s3+s13], $0x80, s22, s13, $0xb8;
	[tilespmem:$0x13000] =	vst v63  }
0x2d: {  	s23 =	simm.s32 $0x280;
	s11 =	simm.s32 $0x8100  }
0x2e: {  	[tilespmem:s11], [sflag:$0x2] =	stream.indirect.gather [hbm4b:s3+s13], $0x80, s23, s13, $0xb8;
	[tilespmem:$0x13000] =	vst v63  }
0x2f: {  	s24 =	simm.s32 $0x300;
	p0 =	seq.s32 s18, $0x0  }
0x30: {  	[tilespmem:s28], [sflag:$0x2] =	stream.indirect.gather [hbm4b:s3+s13], $0x80, s24, s13, $0xb8;
	[tilespmem:$0x13000] =	vst v63  }
0x31: {  	s6 =	simm.s32 @!p0 $0x3  }
0x32: {  	[tilespmem:s30], [sflag:$0x2] =	stream.indirect.gather [hbm4b:s3+s13], $0x80, s29, s13, $0xb8;
	[tilespmem:$0x13000] =	vst v63  }
0x33: {  	_ =	swait.ge @!p0 [sflag:s6], $0x3200  }
0x34: {  	[sflag:s6] =	ssyncset.done @!p0 $0x0  }
0x35: {  	s25 =	simm.s32 $0x420;
	[sflag:s6] =	ssyncadd.s32 @!p0 $0xFFFFCE00  }
0x36: {  	v0 =	vld [tilespmem:s25+$0xFFFFFFE0];
	_ =	sdelay $0x1  }
0x37: {  	s19 =	simm.s32 $0x0  }
0x38: {  	s26 =	sand.u32 $0x40, s19;
	s15 =	sand.u32 $0x3E00, s19  }
0x39: {  	s6 =	sor.u32 s26, s15  }
0x3a: {  	[tilespmem:s6+$0xCC00] =	vst v0  }
0x3b: {  	v0 =	vld [tilespmem:s25+$0xFFFFFFF0];
	_ =	sdelay $0x4  }
0x3c: {  	[tilespmem:s6+$0xCC10] =	vst v0  }
0x3d: {  	v0 =	vld [tilespmem:s25+$0x0];
	_ =	sdelay $0x4  }
0x3e: {  	[tilespmem:s6+$0xCC20] =	vst v0  }
0x3f: {  	v0 =	vld [tilespmem:s25+$0x10];
	_ =	sdelay $0x4  }
0x40: {  	s17 =	simm.s32 $0x0;
	s15 =	simm.s32 $0x4A0;
	[tilespmem:s6+$0xCC30] =	vst v0  }
0x41: {  	s11 =	simm.s32 $0x40;
	s23 =	simm.s32 $0x80;
	s24 =	simm.s32 $0x40;
	v0 =	vld [tilespmem:s15+$0xFFFFFFE0]  }
.LBB2_3:
0x42: {  	p0 =	sne.s32 s23, $0xC40  }
0x43: {  	s17 =	sadd.s32 $0x100, s17  }
0x44: {  	s25 =	sand.u32 $0x40, s24;
	s24 =	smov.u32 s23;
	s26 =	sand.u32 $0x3E00, s17  }
0x45: {  	s25 =	sor.u32 s25, s26  }
0x46: {  	[tilespmem:s25+$0xCC00] =	vst v0  }
0x47: {  	v0 =	vld [tilespmem:s15+$0xFFFFFFF0];
	_ =	sdelay $0x4  }
0x48: {  	[tilespmem:s25+$0xCC10] =	vst v0  }
0x49: {  	v0 =	vld [tilespmem:s15+$0x0];
	_ =	sdelay $0x4  }
0x4a: {  	[tilespmem:s25+$0xCC20] =	vst v0  }
0x4b: {  	v0 =	vld [tilespmem:s15+$0x10];
	_ =	sdelay $0x1  }
.Ltmp0:
0x4c: {  	(pc) =	sbr.rel @p0 .LBB2_3-.Ltmp0, $3  }
0x4d: {  	_ =	sdelay $0x1  }
0x4e: {  	s15 =	sadd.s32 $0x80, s15;
	[tilespmem:s25+$0xCC30] =	vst v0  }
0x4f: {  	s23 =	sadd.s32 $0x40, s23;
	v0 =	vld [tilespmem:s15+$0xFFFFFFE0]  }
0x50: {  	_ = 	snop  }
0x51: {  	s17 =	sadd.s32 $0x100, s17  }
0x52: {  	s23 =	sand.u32 $0x40, s24;
	s17 =	sand.u32 $0x3E00, s17  }
0x53: {  	s17 =	sor.u32 s23, s17  }
0x54: {  	[tilespmem:s17+$0xCC00] =	vst v0  }
0x55: {  	v0 =	vld [tilespmem:s15+$0xFFFFFFF0];
	_ =	sdelay $0x4  }
0x56: {  	[tilespmem:s17+$0xCC10] =	vst v0  }
0x57: {  	v0 =	vld [tilespmem:s15+$0x0];
	_ =	sdelay $0x4  }
0x58: {  	[tilespmem:s17+$0xCC20] =	vst v0  }
0x59: {  	v0 =	vld [tilespmem:s15+$0x10];
	_ =	sdelay $0x4  }
0x5a: {  	s26 =	simm.s32 $0x1D30;
	[tilespmem:s17+$0xCC30] =	vst v0  }
0x5b: {  	v0 =	vld [tilespmem:s26+$0xFFFFFFD0];
	_ =	sdelay $0x4  }
0x5c: {  	[tilespmem:s6+$0xCC80] =	vst v0  }
0x5d: {  	v0 =	vld [tilespmem:s26+$0xFFFFFFE0];
	_ =	sdelay $0x4  }
0x5e: {  	[tilespmem:s6+$0xCC90] =	vst v0  }
0x5f: {  	v0 =	vld [tilespmem:s26+$0xFFFFFFF0];
	_ =	sdelay $0x4  }
0x60: {  	[tilespmem:s6+$0xCCA0] =	vst v0  }
0x61: {  	v0 =	vld [tilespmem:s26+$0x0];
	_ =	sdelay $0x4  }
0x62: {  	[tilespmem:s6+$0xCCB0] =	vst v0;
	s6 =	simm.s32 $0x1DB0  }
0x63: {  	s15 =	simm.s32 $0x80;
	v0 =	vld [tilespmem:s6+$0xFFFFFFD0]  }
.LBB2_5:
0x64: {  	p0 =	sne.s32 s15, $0xC40  }
0x65: {  	s19 =	sadd.s32 $0x100, s19  }
0x66: {  	s17 =	sand.u32 $0x40, s11;
	s11 =	smov.u32 s15;
	s23 =	sand.u32 $0x3E00, s19  }
0x67: {  	s17 =	sor.u32 s17, s23  }
0x68: {  	[tilespmem:s17+$0xCC80] =	vst v0  }
0x69: {  	v0 =	vld [tilespmem:s6+$0xFFFFFFE0];
	_ =	sdelay $0x4  }
0x6a: {  	[tilespmem:s17+$0xCC90] =	vst v0  }
0x6b: {  	v0 =	vld [tilespmem:s6+$0xFFFFFFF0];
	_ =	sdelay $0x4  }
0x6c: {  	[tilespmem:s17+$0xCCA0] =	vst v0  }
0x6d: {  	v0 =	vld [tilespmem:s6+$0x0];
	_ =	sdelay $0x1  }
.Ltmp1:
0x6e: {  	(pc) =	sbr.rel @p0 .LBB2_5-.Ltmp1, $3  }
0x6f: {  	_ =	sdelay $0x1  }
0x70: {  	s6 =	sadd.s32 $0x80, s6;
	[tilespmem:s17+$0xCCB0] =	vst v0  }
0x71: {  	s15 =	sadd.s32 $0x40, s15;
	v0 =	vld [tilespmem:s6+$0xFFFFFFD0]  }
0x72: {  	_ = 	snop  }
0x73: {  	s15 =	sadd.s32 $0x100, s19  }
0x74: {  	s11 =	sand.u32 $0x40, s11;
	s15 =	sand.u32 $0x3E00, s15  }
0x75: {  	s11 =	sor.u32 s11, s15  }
0x76: {  	[tilespmem:s11+$0xCC80] =	vst v0  }
0x77: {  	v0 =	vld [tilespmem:s6+$0xFFFFFFE0];
	_ =	sdelay $0x4  }
0x78: {  	[tilespmem:s11+$0xCC90] =	vst v0  }
0x79: {  	v0 =	vld [tilespmem:s6+$0xFFFFFFF0];
	_ =	sdelay $0x4  }
0x7a: {  	[tilespmem:s11+$0xCCA0] =	vst v0  }
0x7b: {  	v0 =	vld [tilespmem:s6+$0x0];
	_ =	sdelay $0x4  }
0x7c: {  	s19 =	simm.s32 $0x3630;
	[tilespmem:s11+$0xCCB0] =	vst v0  }
0x7d: {  	p0 =	por $0x0, $0x0;
	s11 =	simm.s32 $0x1;
	v0 =	vld [tilespmem:s19+$0xFFFFFFD0]  }
0x7e: {  	s11 =	simm.s32 @!p0 $0x0  }
0x7f: {  	s11 =	sshll.u32 s11, $0x6  }
0x80: {  	s11 =	sadd.s32 $0x0, s11  }
0x81: {  	s23 =	sor.u32 $0x100, s11  }
0x82: {  	[tilespmem:s23+$0xCC00] =	vst v0  }
0x83: {  	v0 =	vld [tilespmem:s19+$0xFFFFFFE0];
	_ =	sdelay $0x3  }
0x84: {  	s24 =	sor.u32 $0x110, s11  }
0x85: {  	[tilespmem:s24+$0xCC00] =	vst v0  }
0x86: {  	v0 =	vld [tilespmem:s19+$0xFFFFFFF0];
	_ =	sdelay $0x3  }
0x87: {  	s25 =	sor.u32 $0x120, s11  }
0x88: {  	[tilespmem:s25+$0xCC00] =	vst v0  }
0x89: {  	v0 =	vld [tilespmem:s19+$0x0];
	_ =	sdelay $0x3  }
0x8a: {  	s26 =	sor.u32 $0x130, s11  }
0x8b: {  	s17 =	simm.s32 $0x80;
	s6 =	simm.s32 $0x36B0;
	[tilespmem:s26+$0xCC00] =	vst v0  }
0x8c: {  	p1 =	por !p0, !p0;
	s15 =	simm.s32 $0x0;
	s19 =	simm.s32 $0x0;
	v0 =	vld [tilespmem:s6+$0xFFFFFFD0]  }
.LBB2_7:
0x8d: {  	s23 =	simm.s32 $0x1  }
0x8e: {  	p2 =	sne.s32 s17, $0xC40;
	s23 =	simm.s32 @!p1 $0x0  }
0x8f: {  	s15 =	sadd.s32 $0x100, s15;
	s23 =	sshll.u32 s23, $0x6  }
0x90: {  	s23 =	sadd.s32 s23, s15  }
0x91: {  	s24 =	sor.u32 $0x100, s23  }
0x92: {  	[tilespmem:s24+$0xCC00] =	vst v0  }
0x93: {  	v0 =	vld [tilespmem:s6+$0xFFFFFFE0];
	_ =	sdelay $0x3  }
0x94: {  	s24 =	sor.u32 $0x110, s23  }
0x95: {  	[tilespmem:s24+$0xCC00] =	vst v0  }
0x96: {  	v0 =	vld [tilespmem:s6+$0xFFFFFFF0];
	_ =	sdelay $0x3  }
0x97: {  	s24 =	sor.u32 $0x120, s23  }
0x98: {  	[tilespmem:s24+$0xCC00] =	vst v0  }
0x99: {  	v0 =	vld [tilespmem:s6+$0x0];
	_ =	sdelay $0x1  }
.Ltmp2:
0x9a: {  	(pc) =	sbr.rel @p2 .LBB2_7-.Ltmp2, $4  }
0x9b: {  	_ = 	snop  }
0x9c: {  	s23 =	sor.u32 $0x130, s23  }
0x9d: {  	s6 =	sadd.s32 $0x80, s6;
	[tilespmem:s23+$0xCC00] =	vst v0  }
0x9e: {  	s17 =	sadd.s32 $0x40, s17;
	p1 =	por !p1, !p1;
	v0 =	vld [tilespmem:s6+$0xFFFFFFD0]  }
0x9f: {  	s17 =	simm.s32 $0x1  }
0xa0: {  	s17 =	simm.s32 @!p1 $0x0  }
0xa1: {  	s15 =	sadd.s32 $0x100, s15;
	s17 =	sshll.u32 s17, $0x6  }
0xa2: {  	s15 =	sadd.s32 s17, s15  }
0xa3: {  	s17 =	sor.u32 $0x100, s15  }
0xa4: {  	[tilespmem:s17+$0xCC00] =	vst v0  }
0xa5: {  	v0 =	vld [tilespmem:s6+$0xFFFFFFE0];
	_ =	sdelay $0x3  }
0xa6: {  	s25 =	sor.u32 $0x110, s15  }
0xa7: {  	[tilespmem:s25+$0xCC00] =	vst v0  }
0xa8: {  	v0 =	vld [tilespmem:s6+$0xFFFFFFF0];
	_ =	sdelay $0x3  }
0xa9: {  	s26 =	sor.u32 $0x120, s15  }
0xaa: {  	[tilespmem:s26+$0xCC00] =	vst v0  }
0xab: {  	v0 =	vld [tilespmem:s6+$0x0];
	_ =	sdelay $0x3  }
0xac: {  	s15 =	sor.u32 $0x130, s15  }
0xad: {  	s17 =	simm.s32 $0x4F00;
	[tilespmem:s15+$0xCC00] =	vst v0  }
0xae: {  	v0 =	vld [tilespmem:s17+$0x0];
	_ =	sdelay $0x3  }
0xaf: {  	s23 =	sor.u32 $0x180, s11  }
0xb0: {  	[tilespmem:s23+$0xCC00] =	vst v0  }
0xb1: {  	v0 =	vld [tilespmem:s17+$0x10];
	_ =	sdelay $0x3  }
0xb2: {  	s24 =	sor.u32 $0x190, s11  }
0xb3: {  	[tilespmem:s24+$0xCC00] =	vst v0  }
0xb4: {  	v0 =	vld [tilespmem:s17+$0x20];
	_ =	sdelay $0x3  }
0xb5: {  	s25 =	sor.u32 $0x1A0, s11  }
0xb6: {  	[tilespmem:s25+$0xCC00] =	vst v0  }
0xb7: {  	v0 =	vld [tilespmem:s17+$0x30];
	_ =	sdelay $0x3  }
0xb8: {  	s26 =	sor.u32 $0x1B0, s11  }
0xb9: {  	s6 =	simm.s32 $0x4F80;
	[tilespmem:s26+$0xCC00] =	vst v0  }
0xba: {  	p0 =	por !p0, !p0;
	s11 =	simm.s32 $0x80;
	v0 =	vld [tilespmem:s6+$0x0]  }
.LBB2_9:
0xbb: {  	s15 =	simm.s32 $0x1  }
0xbc: {  	p1 =	sne.s32 s11, $0xC40;
	s15 =	simm.s32 @!p0 $0x0  }
0xbd: {  	s19 =	sadd.s32 $0x100, s19;
	s15 =	sshll.u32 s15, $0x6  }
0xbe: {  	s15 =	sadd.s32 s15, s19  }
0xbf: {  	s17 =	sor.u32 $0x180, s15  }
0xc0: {  	[tilespmem:s17+$0xCC00] =	vst v0  }
0xc1: {  	v0 =	vld [tilespmem:s6+$0x10];
	_ =	sdelay $0x3  }
0xc2: {  	s17 =	sor.u32 $0x190, s15  }
0xc3: {  	[tilespmem:s17+$0xCC00] =	vst v0  }
0xc4: {  	v0 =	vld [tilespmem:s6+$0x20];
	_ =	sdelay $0x3  }
0xc5: {  	s17 =	sor.u32 $0x1A0, s15  }
0xc6: {  	[tilespmem:s17+$0xCC00] =	vst v0  }
0xc7: {  	v0 =	vld [tilespmem:s6+$0x30];
	_ =	sdelay $0x1  }
.Ltmp3:
0xc8: {  	(pc) =	sbr.rel @p1 .LBB2_9-.Ltmp3, $4  }
0xc9: {  	_ = 	snop  }
0xca: {  	s15 =	sor.u32 $0x1B0, s15  }
0xcb: {  	s6 =	sadd.s32 $0x80, s6;
	[tilespmem:s15+$0xCC00] =	vst v0  }
0xcc: {  	s11 =	sadd.s32 $0x40, s11;
	p0 =	por !p0, !p0;
	v0 =	vld [tilespmem:s6+$0x0]  }
0xcd: {  	s11 =	simm.s32 $0x1  }
0xce: {  	s11 =	simm.s32 @!p0 $0x0  }
0xcf: {  	s15 =	sadd.s32 $0x100, s19;
	s11 =	sshll.u32 s11, $0x6  }
0xd0: {  	s11 =	sadd.s32 s11, s15  }
0xd1: {  	s15 =	sor.u32 $0x180, s11  }
0xd2: {  	[tilespmem:s15+$0xCC00] =	vst v0  }
0xd3: {  	v0 =	vld [tilespmem:s6+$0x10];
	_ =	sdelay $0x3  }
0xd4: {  	s25 =	sor.u32 $0x190, s11  }
0xd5: {  	[tilespmem:s25+$0xCC00] =	vst v0  }
0xd6: {  	v0 =	vld [tilespmem:s6+$0x20];
	_ =	sdelay $0x3  }
0xd7: {  	s26 =	sor.u32 $0x1A0, s11  }
0xd8: {  	[tilespmem:s26+$0xCC00] =	vst v0  }
0xd9: {  	v0 =	vld [tilespmem:s6+$0x30];
	_ =	sdelay $0x1  }
0xda: {  	s15 =	sor.u32 s8, s18  }
0xdb: {  	s19 =	smul.u32 $0xC80, s15  }
0xdc: {  	s17 =	sor.u32 $0x1B0, s11  }
0xdd: {  	s23 =	sadd.s32 s4, s19;
	[tilespmem:s17+$0xCC00] =	vst v0  }
0xde: {  	[hbm4b:s23+s22] =	stream.strided.scatter [tilespmem:s31], [sflag:$0x3], $0x3200, s14, s22, $0x38;
	[tilespmem:$0x13000] =	vst v63  }
0xdf: {  	_ =	swait.ge [sflag:s0], $0x1900  }
0xe0: {  	[sflag:s0] =	ssyncset.done $0x0  }
0xe1: {  	[sflag:s0] =	ssyncadd.s32 $0xFFFFE700  }
0xe2: {  	_ =	swait.ge [sflag:s0], $0x1900  }
0xe3: {  	[sflag:s0] =	ssyncset.done $0x0  }
0xe4: {  	[sflag:s0] =	ssyncadd.s32 $0xFFFFE700  }
0xe5: {  	_ =	swait.ge [sflag:s0], $0x1900  }
0xe6: {  	[sflag:s0] =	ssyncset.done $0x0  }
0xe7: {  	[sflag:s0] =	ssyncadd.s32 $0xFFFFE700  }
0xe8: {  	_ =	swait.ge [sflag:s0], $0x1900  }
0xe9: {  	p0 =	seq.s32 s18, $0x3F;
	[sflag:s0] =	ssyncset.done $0x0  }
0xea: {  	s11 =	simm.s32 @!p0 $0x0;
	s6 =	sadd.s32 @!p0 s20, s9;
	[sflag:s0] =	ssyncadd.s32 $0xFFFFE700  }
0xeb: {  	[tilespmem:s11], [sflag:$0x5] =	stream.linear.gather @!p0 [hbm4b:s6+s11], $0x200, $0x38;
	[tilespmem:$0x13000] =	vst v63  }
0xec: {  	s6 =	simm.s32 @!p0 $0x5  }
0xed: {  	_ =	swait.ge @!p0 [sflag:s6], $0x200  }
0xee: {  	[sflag:s6] =	ssyncset.done @!p0 $0x0  }
0xef: {  	s15 =	simm.s32 @!p0 $0x400;
	[sflag:s6] =	ssyncadd.s32 @!p0 $0xFFFFFE00;
	s6 =	simm.s32 @!p0 $0x32  }
0xf0: {  	[tilespmem:s15], [sflag:$0x1] =	stream.indirect.gather @!p0 [hbm4b:s3+s6], $0x80, s11, s6, $0xb8;
	[tilespmem:$0x13000] =	vst v63  }
0xf1: {  	s11 =	simm.s32 @!p0 $0x80;
	s15 =	simm.s32 @!p0 $0x1D00  }
0xf2: {  	[tilespmem:s15], [sflag:$0x1] =	stream.indirect.gather @!p0 [hbm4b:s3+s6], $0x80, s11, s6, $0xb8;
	[tilespmem:$0x13000] =	vst v63  }
0xf3: {  	s11 =	simm.s32 @!p0 $0x100;
	s15 =	simm.s32 @!p0 $0x3600  }
0xf4: {  	[tilespmem:s15], [sflag:$0x1] =	stream.indirect.gather @!p0 [hbm4b:s3+s6], $0x80, s11, s6, $0xb8;
	[tilespmem:$0x13000] =	vst v63  }
0xf5: {  	p1 =	seq.s32 @!p0 s18, $0x0;
	s11 =	simm.s32 @!p0 $0x180;
	s15 =	simm.s32 @!p0 $0x4F00  }
0xf6: {  	[tilespmem:s15], [sflag:$0x1] =	stream.indirect.gather @!p0 [hbm4b:s3+s6], $0x80, s11, s6, $0xb8;
	[tilespmem:$0x13000] =	vst v63  }
0xf7: {  	p0 =	por p0, !p1  }
0xf8: {  	_ =	swait.ge @p0 [sflag:s16], $0x3200  }
0xf9: {  	[sflag:s16] =	ssyncset.done @p0 $0x0  }
0xfa: {  	s24 =	simm.s32 $0x6820;
	[sflag:s16] =	ssyncadd.s32 @p0 $0xFFFFCE00  }
0xfb: {  	v0 =	vld [tilespmem:s24+$0xFFFFFFE0];
	_ =	sdelay $0x1  }
0xfc: {  	s20 =	simm.s32 $0x0  }
0xfd: {  	s25 =	sand.u32 $0x40, s20;
	s26 =	sand.u32 $0x3E00, s20  }
0xfe: {  	s6 =	sor.u32 s25, s26  }
0xff: {  	[tilespmem:s6+$0xFE00] =	vst v0  }
0x100: {  	v0 =	vld [tilespmem:s24+$0xFFFFFFF0];
	_ =	sdelay $0x4  }
0x101: {  	[tilespmem:s6+$0xFE10] =	vst v0  }
0x102: {  	v0 =	vld [tilespmem:s24+$0x0];
	_ =	sdelay $0x4  }
0x103: {  	[tilespmem:s6+$0xFE20] =	vst v0  }
0x104: {  	v0 =	vld [tilespmem:s24+$0x10];
	_ =	sdelay $0x4  }
0x105: {  	s17 =	simm.s32 $0x0;
	s15 =	simm.s32 $0x68A0;
	[tilespmem:s6+$0xFE30] =	vst v0  }
0x106: {  	s23 =	simm.s32 $0x80;
	s11 =	simm.s32 $0x40;
	s24 =	simm.s32 $0x40;
	v0 =	vld [tilespmem:s15+$0xFFFFFFE0]  }
.LBB2_11:
0x107: {  	p0 =	sne.s32 s23, $0xC40  }
0x108: {  	s17 =	sadd.s32 $0x100, s17  }
0x109: {  	s25 =	sand.u32 $0x40, s24;
	s24 =	smov.u32 s23;
	s26 =	sand.u32 $0x3E00, s17  }
0x10a: {  	s25 =	sor.u32 s25, s26  }
0x10b: {  	[tilespmem:s25+$0xFE00] =	vst v0  }
0x10c: {  	v0 =	vld [tilespmem:s15+$0xFFFFFFF0];
	_ =	sdelay $0x4  }
0x10d: {  	[tilespmem:s25+$0xFE10] =	vst v0  }
0x10e: {  	v0 =	vld [tilespmem:s15+$0x0];
	_ =	sdelay $0x4  }
0x10f: {  	[tilespmem:s25+$0xFE20] =	vst v0  }
0x110: {  	v0 =	vld [tilespmem:s15+$0x10];
	_ =	sdelay $0x1  }
.Ltmp4:
0x111: {  	(pc) =	sbr.rel @p0 .LBB2_11-.Ltmp4, $3  }
0x112: {  	_ =	sdelay $0x1  }
0x113: {  	s15 =	sadd.s32 $0x80, s15;
	[tilespmem:s25+$0xFE30] =	vst v0  }
0x114: {  	s23 =	sadd.s32 $0x40, s23;
	v0 =	vld [tilespmem:s15+$0xFFFFFFE0]  }
0x115: {  	_ = 	snop  }
0x116: {  	s17 =	sadd.s32 $0x100, s17  }
0x117: {  	s23 =	sand.u32 $0x40, s24;
	s17 =	sand.u32 $0x3E00, s17  }
0x118: {  	s17 =	sor.u32 s23, s17  }
0x119: {  	[tilespmem:s17+$0xFE00] =	vst v0  }
0x11a: {  	v0 =	vld [tilespmem:s15+$0xFFFFFFF0];
	_ =	sdelay $0x4  }
0x11b: {  	[tilespmem:s17+$0xFE10] =	vst v0  }
0x11c: {  	v0 =	vld [tilespmem:s15+$0x0];
	_ =	sdelay $0x4  }
0x11d: {  	[tilespmem:s17+$0xFE20] =	vst v0  }
0x11e: {  	v0 =	vld [tilespmem:s15+$0x10];
	_ =	sdelay $0x4  }
0x11f: {  	s26 =	simm.s32 $0x8130;
	[tilespmem:s17+$0xFE30] =	vst v0  }
0x120: {  	v0 =	vld [tilespmem:s26+$0xFFFFFFD0];
	_ =	sdelay $0x4  }
0x121: {  	[tilespmem:s6+$0xFE80] =	vst v0  }
0x122: {  	v0 =	vld [tilespmem:s26+$0xFFFFFFE0];
	_ =	sdelay $0x4  }
0x123: {  	[tilespmem:s6+$0xFE90] =	vst v0  }
0x124: {  	v0 =	vld [tilespmem:s26+$0xFFFFFFF0];
	_ =	sdelay $0x4  }
0x125: {  	[tilespmem:s6+$0xFEA0] =	vst v0  }
0x126: {  	v0 =	vld [tilespmem:s26+$0x0];
	_ =	sdelay $0x4  }
0x127: {  	[tilespmem:s6+$0xFEB0] =	vst v0;
	s6 =	simm.s32 $0x81B0  }
0x128: {  	s15 =	simm.s32 $0x80;
	v0 =	vld [tilespmem:s6+$0xFFFFFFD0]  }
.LBB2_13:
0x129: {  	p0 =	sne.s32 s15, $0xC40  }
0x12a: {  	s20 =	sadd.s32 $0x100, s20  }
0x12b: {  	s17 =	sand.u32 $0x40, s11;
	s11 =	smov.u32 s15;
	s23 =	sand.u32 $0x3E00, s20  }
0x12c: {  	s17 =	sor.u32 s17, s23  }
0x12d: {  	[tilespmem:s17+$0xFE80] =	vst v0  }
0x12e: {  	v0 =	vld [tilespmem:s6+$0xFFFFFFE0];
	_ =	sdelay $0x4  }
0x12f: {  	[tilespmem:s17+$0xFE90] =	vst v0  }
0x130: {  	v0 =	vld [tilespmem:s6+$0xFFFFFFF0];
	_ =	sdelay $0x4  }
0x131: {  	[tilespmem:s17+$0xFEA0] =	vst v0  }
0x132: {  	v0 =	vld [tilespmem:s6+$0x0];
	_ =	sdelay $0x1  }
.Ltmp5:
0x133: {  	(pc) =	sbr.rel @p0 .LBB2_13-.Ltmp5, $3  }
0x134: {  	_ =	sdelay $0x1  }
0x135: {  	s6 =	sadd.s32 $0x80, s6;
	[tilespmem:s17+$0xFEB0] =	vst v0  }
0x136: {  	s15 =	sadd.s32 $0x40, s15;
	v0 =	vld [tilespmem:s6+$0xFFFFFFD0]  }
0x137: {  	_ = 	snop  }
0x138: {  	s15 =	sadd.s32 $0x100, s20  }
0x139: {  	s11 =	sand.u32 $0x40, s11;
	s15 =	sand.u32 $0x3E00, s15  }
0x13a: {  	s11 =	sor.u32 s11, s15  }
0x13b: {  	[tilespmem:s11+$0xFE80] =	vst v0  }
0x13c: {  	v0 =	vld [tilespmem:s6+$0xFFFFFFE0];
	_ =	sdelay $0x4  }
0x13d: {  	[tilespmem:s11+$0xFE90] =	vst v0  }
0x13e: {  	v0 =	vld [tilespmem:s6+$0xFFFFFFF0];
	_ =	sdelay $0x4  }
0x13f: {  	[tilespmem:s11+$0xFEA0] =	vst v0  }
0x140: {  	v0 =	vld [tilespmem:s6+$0x0];
	_ =	sdelay $0x4  }
0x141: {  	s20 =	simm.s32 $0x9A30;
	[tilespmem:s11+$0xFEB0] =	vst v0  }
0x142: {  	p0 =	por $0x0, $0x0;
	s11 =	simm.s32 $0x1;
	v0 =	vld [tilespmem:s20+$0xFFFFFFD0]  }
0x143: {  	s11 =	simm.s32 @!p0 $0x0  }
0x144: {  	s11 =	sshll.u32 s11, $0x6  }
0x145: {  	s11 =	sadd.s32 $0x0, s11  }
0x146: {  	s23 =	sor.u32 $0x100, s11  }
0x147: {  	[tilespmem:s23+$0xFE00] =	vst v0  }
0x148: {  	v0 =	vld [tilespmem:s20+$0xFFFFFFE0];
	_ =	sdelay $0x3  }
0x149: {  	s24 =	sor.u32 $0x110, s11  }
0x14a: {  	[tilespmem:s24+$0xFE00] =	vst v0  }
0x14b: {  	v0 =	vld [tilespmem:s20+$0xFFFFFFF0];
	_ =	sdelay $0x3  }
0x14c: {  	s25 =	sor.u32 $0x120, s11  }
0x14d: {  	[tilespmem:s25+$0xFE00] =	vst v0  }
0x14e: {  	v0 =	vld [tilespmem:s20+$0x0];
	_ =	sdelay $0x3  }
0x14f: {  	s26 =	sor.u32 $0x130, s11  }
0x150: {  	s17 =	simm.s32 $0x80;
	s6 =	simm.s32 $0x9AB0;
	[tilespmem:s26+$0xFE00] =	vst v0  }
0x151: {  	p1 =	por !p0, !p0;
	s15 =	simm.s32 $0x0;
	s20 =	simm.s32 $0x0;
	v0 =	vld [tilespmem:s6+$0xFFFFFFD0]  }
.LBB2_15:
0x152: {  	s23 =	simm.s32 $0x1  }
0x153: {  	p2 =	sne.s32 s17, $0xC40;
	s23 =	simm.s32 @!p1 $0x0  }
0x154: {  	s15 =	sadd.s32 $0x100, s15;
	s23 =	sshll.u32 s23, $0x6  }
0x155: {  	s23 =	sadd.s32 s23, s15  }
0x156: {  	s24 =	sor.u32 $0x100, s23  }
0x157: {  	[tilespmem:s24+$0xFE00] =	vst v0  }
0x158: {  	v0 =	vld [tilespmem:s6+$0xFFFFFFE0];
	_ =	sdelay $0x3  }
0x159: {  	s24 =	sor.u32 $0x110, s23  }
0x15a: {  	[tilespmem:s24+$0xFE00] =	vst v0  }
0x15b: {  	v0 =	vld [tilespmem:s6+$0xFFFFFFF0];
	_ =	sdelay $0x3  }
0x15c: {  	s24 =	sor.u32 $0x120, s23  }
0x15d: {  	[tilespmem:s24+$0xFE00] =	vst v0  }
0x15e: {  	v0 =	vld [tilespmem:s6+$0x0];
	_ =	sdelay $0x1  }
.Ltmp6:
0x15f: {  	(pc) =	sbr.rel @p2 .LBB2_15-.Ltmp6, $4  }
0x160: {  	_ = 	snop  }
0x161: {  	s23 =	sor.u32 $0x130, s23  }
0x162: {  	s6 =	sadd.s32 $0x80, s6;
	[tilespmem:s23+$0xFE00] =	vst v0  }
0x163: {  	s17 =	sadd.s32 $0x40, s17;
	p1 =	por !p1, !p1;
	v0 =	vld [tilespmem:s6+$0xFFFFFFD0]  }
0x164: {  	s17 =	simm.s32 $0x1  }
0x165: {  	s17 =	simm.s32 @!p1 $0x0  }
0x166: {  	s15 =	sadd.s32 $0x100, s15;
	s17 =	sshll.u32 s17, $0x6  }
0x167: {  	s15 =	sadd.s32 s17, s15  }
0x168: {  	s17 =	sor.u32 $0x100, s15  }
0x169: {  	[tilespmem:s17+$0xFE00] =	vst v0  }
0x16a: {  	v0 =	vld [tilespmem:s6+$0xFFFFFFE0];
	_ =	sdelay $0x3  }
0x16b: {  	s25 =	sor.u32 $0x110, s15  }
0x16c: {  	[tilespmem:s25+$0xFE00] =	vst v0  }
0x16d: {  	v0 =	vld [tilespmem:s6+$0xFFFFFFF0];
	_ =	sdelay $0x3  }
0x16e: {  	s26 =	sor.u32 $0x120, s15  }
0x16f: {  	[tilespmem:s26+$0xFE00] =	vst v0  }
0x170: {  	v0 =	vld [tilespmem:s6+$0x0];
	_ =	sdelay $0x3  }
0x171: {  	s15 =	sor.u32 $0x130, s15  }
0x172: {  	s17 =	simm.s32 $0xB300;
	[tilespmem:s15+$0xFE00] =	vst v0  }
0x173: {  	v0 =	vld [tilespmem:s17+$0x0];
	_ =	sdelay $0x3  }
0x174: {  	s23 =	sor.u32 $0x180, s11  }
0x175: {  	[tilespmem:s23+$0xFE00] =	vst v0  }
0x176: {  	v0 =	vld [tilespmem:s17+$0x10];
	_ =	sdelay $0x3  }
0x177: {  	s24 =	sor.u32 $0x190, s11  }
0x178: {  	[tilespmem:s24+$0xFE00] =	vst v0  }
0x179: {  	v0 =	vld [tilespmem:s17+$0x20];
	_ =	sdelay $0x3  }
0x17a: {  	s25 =	sor.u32 $0x1A0, s11  }
0x17b: {  	[tilespmem:s25+$0xFE00] =	vst v0  }
0x17c: {  	v0 =	vld [tilespmem:s17+$0x30];
	_ =	sdelay $0x3  }
0x17d: {  	s26 =	sor.u32 $0x1B0, s11  }
0x17e: {  	s6 =	simm.s32 $0xB380;
	[tilespmem:s26+$0xFE00] =	vst v0  }
0x17f: {  	p0 =	por !p0, !p0;
	s11 =	simm.s32 $0x80;
	v0 =	vld [tilespmem:s6+$0x0]  }
.LBB2_17:
0x180: {  	s15 =	simm.s32 $0x1  }
0x181: {  	p1 =	sne.s32 s11, $0xC40;
	s15 =	simm.s32 @!p0 $0x0  }
0x182: {  	s20 =	sadd.s32 $0x100, s20;
	s15 =	sshll.u32 s15, $0x6  }
0x183: {  	s15 =	sadd.s32 s15, s20  }
0x184: {  	s17 =	sor.u32 $0x180, s15  }
0x185: {  	[tilespmem:s17+$0xFE00] =	vst v0  }
0x186: {  	v0 =	vld [tilespmem:s6+$0x10];
	_ =	sdelay $0x3  }
0x187: {  	s17 =	sor.u32 $0x190, s15  }
0x188: {  	[tilespmem:s17+$0xFE00] =	vst v0  }
0x189: {  	v0 =	vld [tilespmem:s6+$0x20];
	_ =	sdelay $0x3  }
0x18a: {  	s17 =	sor.u32 $0x1A0, s15  }
0x18b: {  	[tilespmem:s17+$0xFE00] =	vst v0  }
0x18c: {  	v0 =	vld [tilespmem:s6+$0x30];
	_ =	sdelay $0x1  }
.Ltmp7:
0x18d: {  	(pc) =	sbr.rel @p1 .LBB2_17-.Ltmp7, $4  }
0x18e: {  	_ = 	snop  }
0x18f: {  	s15 =	sor.u32 $0x1B0, s15  }
0x190: {  	s6 =	sadd.s32 $0x80, s6;
	[tilespmem:s15+$0xFE00] =	vst v0  }
0x191: {  	s11 =	sadd.s32 $0x40, s11;
	p0 =	por !p0, !p0;
	v0 =	vld [tilespmem:s6+$0x0]  }
0x192: {  	s11 =	simm.s32 $0x1  }
0x193: {  	s11 =	simm.s32 @!p0 $0x0  }
0x194: {  	s15 =	sadd.s32 $0x100, s20;
	s11 =	sshll.u32 s11, $0x6  }
0x195: {  	s11 =	sadd.s32 s11, s15  }
0x196: {  	s15 =	sor.u32 $0x180, s11  }
0x197: {  	[tilespmem:s15+$0xFE00] =	vst v0  }
0x198: {  	v0 =	vld [tilespmem:s6+$0x10];
	_ =	sdelay $0x3  }
0x199: {  	s23 =	sor.u32 $0x190, s11  }
0x19a: {  	[tilespmem:s23+$0xFE00] =	vst v0  }
0x19b: {  	v0 =	vld [tilespmem:s6+$0x20];
	_ =	sdelay $0x3  }
0x19c: {  	s24 =	sor.u32 $0x1A0, s11  }
0x19d: {  	[tilespmem:s24+$0xFE00] =	vst v0  }
0x19e: {  	s18 =	sadd.s32 $0x1, s18;
	v0 =	vld [tilespmem:s6+$0x30]  }
0x19f: {  	p0 =	sne.s32 s18, $0x40  }
.Ltmp8:
0x1a0: {  	_ = 	snop;
	(pc) =	sbr.rel @p0 .LBB2_2-.Ltmp8, $4  }
0x1a1: {  	_ = 	snop  }
0x1a2: {  	s25 =	sor.u32 $0x1B0, s11  }
0x1a3: {  	s26 =	sadd.s32 s19, s10;
	[tilespmem:s25+$0xFE00] =	vst v0  }
0x1a4: {  	[hbm4b:s26+s22] =	stream.strided.scatter [tilespmem:s1], [sflag:$0x4], $0x3200, s14, s22, $0x38;
	[tilespmem:$0x13000] =	vst v63  }
0x1a5: {  	s6 =	simm.s32 $0x3  }
0x1a6: {  	_ =	swait.ge [sflag:s6], $0x3200  }
0x1a7: {  	[sflag:s6] =	ssyncset.done $0x0  }
0x1a8: {  	[sflag:s6] =	ssyncadd.s32 $0xFFFFCE00  }
0x1a9: {  	_ =	swait.ge [sflag:s16], $0x3200  }
0x1aa: {  	s11 =	rddreg [dreg:$0x5]  }
0x1ab: {  	s26 =	rddreg [dreg:$0x4];
	s11 =	sadd.s32 $0x1, s11  }
0x1ac: {  	p0 =	sne.s32 s11, s26  }
.Ltmp9:
0x1ad: {  	_ = 	snop;
	(pc) =	sbr.rel @p0 .LBB2_1-.Ltmp9, $3  }
0x1ae: {  	_ =	sdelay $0x1  }
0x1af: {  	[sflag:s16] =	ssyncset.done $0x0  }
0x1b0: {  	[sflag:s16] =	ssyncadd.s32 $0xFFFFCE00  }
0x1b1: {  	_ =	sfence.sel $0x180000  }
0x1b2: {  	[bflag:$0x0] =	sbarrier.arrive $0xFFFF  }
0x1b3: {  	_ =	strace $0x90000047  }
0x1b4: {  	s0 =	stileid.u32;
	[bflag:$0x2] =	sbarrier.arrive $0xFFFF  }
0x1b5: {  	p0 =	sne.s32 s0, $0x0;
	s0 =	rddreg [dreg:$0x2]  }
0x1b6: {  	s0 =	sadd.s32 @!p0 $0x100000, s0  }
0x1b7: {  	[sflag:s0] =	ssyncadd.tile.s32 @!p0 $0x1;
	_ =	shalt  }
.Lfunc_end2:
_tile_overlayer_lowered:
.L_overlay_start_2:
0x1b8: {  	(tag) =	ssettag $0x2  }
0x1b9: {  	s0 =	rddreg [dreg:$0x0];
	s2 =	stileid.u32  }
0x1ba: {  	s1 =	rddreg [dreg:$0x1];
	p0 =	sne.s32 s2, $0x0  }
0x1bb: {  	s3 =	rddreg [dreg:$0x2];
	[bflag:$0x3] =	sbarrier.arrive $0xFFFF;
	s2 =	simm.s32 @!p0 $0x1C05  }
0x1bc: {  	[timem:s3], [sflag:s2] =	dma.local @!p0 [hbm:s0], s1  }
0x1bd: {  	s0 =	simm.s32 @!p0 $0x5  }
0x1be: {  	_ =	swait.ge @!p0 [sflag:s0], s1  }
0x1bf: {  	s1 =	ssub.s32 @!p0 $0x0, s1;
	[sflag:s0] =	ssyncset.done @!p0 $0x0  }
0x1c0: {  	[sflag:s0] =	ssyncadd.s32 @!p0 s1  }
0x1c1: {  	[bflag:$0x3] =	sbarrier.arrive $0xFFFF  }
0x1c2: {  	_ =	shalt  }

</sc_bundles>
